<compile_context>
chip_gen: v7x
topology: tpu7x:2x2x1
jax: 0.10.2.dev20260603
libtpu: 0.0.44.dev20260713+nightly
codegen_flags: <defaults>
</compile_context>

<pallas_src>
import functools

import jax
import jax.numpy as jnp
from jax import lax
from jax.experimental import pallas as pl
from jax.experimental.pallas import tpu as pltpu
from jax.experimental.pallas import tpu_sc as plsc

B = 16384
N_FIELDS = 26
VOCAB = 100000
EMB_DIM = 32

NC = 2
NS = 16
LANES = 16
NW = NC * NS

ROWS = N_FIELDS * EMB_DIM
PER_W = ROWS // NW
BH = 8192
UNROLL = 8

CH = 49920
TAIL = VOCAB - 2 * CH
TBUF = CH + TAIL


@functools.partial(
    pl.kernel,
    out_type=jax.ShapeDtypeStruct((ROWS, B), jnp.float32),
    mesh=plsc.VectorSubcoreMesh(
        core_axis_name="c", subcore_axis_name="s", num_cores=NC, num_subcores=NS
    ),
    scratch_types=[
        pltpu.VMEM((1, TBUF), jnp.float32),
        pltpu.VMEM((1, TBUF), jnp.float32),
        pltpu.VMEM((BH,), jnp.int32),
        pltpu.VMEM((BH,), jnp.float32),
        pltpu.VMEM((BH,), jnp.float32),
        pltpu.SemaphoreType.DMA,
        pltpu.SemaphoreType.DMA,
        pltpu.SemaphoreType.DMA,
        pltpu.SemaphoreType.DMA,
    ],
    compiler_params=pltpu.CompilerParams(
        use_tc_tiling_on_sc=True, needs_layout_passes=False
    ),
)
def _sc_col_gather(feat_hbm, table_hbm, tail_hbm, out_hbm, buf_a, buf_b,
                   fc_v, ob0, ob1, sem_a, sem_b, osem0, osem1):
    wid = lax.axis_index("s") * NC + lax.axis_index("c")
    p0 = wid * PER_W

    def chunk_cp(p, chunk, buf, sem):
        return pltpu.make_async_copy(
            table_hbm.at[pl.ds(p, 1), pl.ds(chunk * CH, CH)],
            buf.at[pl.ds(0, 1), pl.ds(0, CH)],
            sem,
        )

    def tail_cp(p, buf, sem):
        return pltpu.make_async_copy(
            tail_hbm.at[pl.ds(p, 1)],
            buf.at[pl.ds(0, 1), pl.ds(CH, TAIL)],
            sem,
        )

    def out_cp(half, ob, sem, p):
        return pltpu.make_async_copy(
            ob, out_hbm.at[p, pl.ds(half * BH, BH)], sem
        )

    def fc_load(p, half):
        pltpu.sync_copy(
            feat_hbm.at[p // EMB_DIM, pl.ds(half * BH, BH)], fc_v
        )

    def merge_pass(buf, rng, ob):
        lo = rng * CH
        hi = lo + (CH + TAIL if rng == 1 else CH)
        zero = jnp.zeros((LANES,), jnp.int32)

        def body(g, carry):
            for u in range(UNROLL):
                off = (g * UNROLL + u) * LANES
                idx = fc_v[pl.ds(off, LANES)]
                m = (idx >= lo) & (idx < hi)
                rel = jnp.where(m, idx - lo, 0)
                v = plsc.load_gather(buf, [zero, rel])
                cur = ob[pl.ds(off, LANES)]
                ob[pl.ds(off, LANES)] = jnp.where(m, v, cur)
            return carry

        lax.fori_loop(0, BH // (UNROLL * LANES), body, 0)

    chunk_cp(p0, 0, buf_a, sem_a).start()
    chunk_cp(p0, 1, buf_b, sem_b).start()
    tail_cp(p0, buf_b, sem_b).start()

    def step(k, carry):
        p = p0 + k

        @pl.when(k > 0)
        def _():
            out_cp(0, ob0, osem0, p).wait()
            out_cp(1, ob1, osem1, p).wait()

        chunk_cp(p, 0, buf_a, sem_a).wait()
        fc_load(p, 0)
        merge_pass(buf_a, 0, ob0)
        fc_load(p, 1)
        merge_pass(buf_a, 0, ob1)

        @pl.when(k + 1 < PER_W)
        def _():
            chunk_cp(p + 1, 0, buf_a, sem_a).start()

        chunk_cp(p, 1, buf_b, sem_b).wait()
        tail_cp(p, buf_b, sem_b).wait()
        merge_pass(buf_b, 1, ob1)
        fc_load(p, 0)
        merge_pass(buf_b, 1, ob0)

        @pl.when(k + 1 < PER_W)
        def _():
            chunk_cp(p + 1, 1, buf_b, sem_b).start()
            tail_cp(p + 1, buf_b, sem_b).start()

        out_cp(0, ob0, osem0, p).start()
        out_cp(1, ob1, osem1, p).start()
        return carry

    lax.fori_loop(0, PER_W, step, 0)
    out_cp(0, ob0, osem0, p0).wait()
    out_cp(1, ob1, osem1, p0).wait()


def kernel(features, tables):
    feat_t = features.T
    table_rows = tables.transpose(0, 2, 1).reshape(ROWS, VOCAB)
    tail_rows = lax.slice(table_rows, (0, 2 * CH), (ROWS, VOCAB))
    out_t = _sc_col_gather(feat_t, table_rows, tail_rows)
    return out_t.T

# --- scband reference (transcript-rebuilt; emitter-appended) ---
"""Pipeline reference for scband-rec-model-48644799594501 (READ-ONLY COPY).

The authoritative reference and input builder live on the scoring server;
editing this copy changes nothing except your own understanding.
"""

import jax, jax.numpy as jnp
import numpy as np

B = 16384
N_FIELDS = 26
VOCAB = 100000
EMB_DIM = 32

def setup_inputs(seed: int = 0) -> dict:
    key = jax.random.key(seed)
    k1, k2 = jax.random.split(key)
    # features[:, i] indexes into table i; forward casts to int64, int32 suffices in jax
    features = jax.random.randint(k1, (B, N_FIELDS), 0, VOCAB, dtype=jnp.int32)
    # stacked embedding tables: one [VOCAB, EMB_DIM] table per sparse field
    tables = jax.random.normal(k2, (N_FIELDS, VOCAB, EMB_DIM), dtype=jnp.float32) * 0.05
    return {"features": features, "tables": tables}

def reference(features, tables):
    # per-field embedding lookup: emb_dict[col](features[:, i]) for each field i
    # vectorized gather: result[b, i, :] = tables[i, features[b, i], :]
    field_ids = jnp.arange(N_FIELDS)[None, :]            # [1, N_FIELDS]
    emb = tables[field_ids, features]                     # [B, N_FIELDS, EMB_DIM]  (torch.stack(dim=1))
    # .squeeze() is a no-op here since B > 1 and EMB_DIM > 1
    # concat=True: view(-1, embedding_dim * len(emb_columns))
    emb = emb.reshape(-1, N_FIELDS * EMB_DIM)             # [B, 832]
    return emb

if __name__ == "__main__":
    import jax
    _d = setup_inputs()
    print(jax.jit(kernel)(*tuple(_d.values())))

</pallas_src>

<mosaic_0001>
#map = affine_map<(d0, d1) -> (0, 0)>
module attributes {stable_mosaic.version = 14 : i64} {
  func.func @_sc_col_gather(%arg0: i32, %arg1: i32, %arg2: memref<26x16384xi32, #tpu.memory_space<hbm>>, %arg3: memref<832x100000xf32, #tpu.memory_space<hbm>>, %arg4: memref<832x160xf32, #tpu.memory_space<hbm>>, %arg5: memref<832x16384xf32, #tpu.memory_space<hbm>>, %arg6: memref<1x50080xf32, #tpu.memory_space<vmem>>, %arg7: memref<1x50080xf32, #tpu.memory_space<vmem>>, %arg8: memref<8192xi32, #tpu.memory_space<vmem>>, %arg9: memref<8192xf32, #tpu.memory_space<vmem>>, %arg10: memref<8192xf32, #tpu.memory_space<vmem>>, %arg11: memref<!tpu.dma_semaphore, #tpu.memory_space<semaphore_mem>>, %arg12: memref<!tpu.dma_semaphore, #tpu.memory_space<semaphore_mem>>, %arg13: memref<!tpu.dma_semaphore, #tpu.memory_space<semaphore_mem>>, %arg14: memref<!tpu.dma_semaphore, #tpu.memory_space<semaphore_mem>>) attributes {dimension_semantics = [#tpu.dimension_semantics<core_parallel>, #tpu.dimension_semantics<subcore_parallel>], iteration_bounds = array<i64: 2, 16>, scalar_prefetch = 0 : i64, scratch_operands = 9 : i64, tpu.core_type = #tpu.core_type<sc_vector_subcore>, window_params = [{transform_indices = #map}, {transform_indices = #map}, {transform_indices = #map}, {transform_indices = #map}]} {
    %mul3A = arith.constant 2 : i32
    %mul3A_0 = arith.muli %arg1, %mul3A : i32
    %add3A = arith.addi %mul3A_0, %arg0 : i32
    %mul3A_1 = arith.constant 26 : i32
    %mul3A_2 = arith.muli %add3A, %mul3A_1 : i32
    %dma_start3A = arith.constant 0 : i32
    %dma_start3A_3 = arith.constant 0 : i32
    %dma_start3A_4 = tpu.memref_slice %arg6[%dma_start3A, %dma_start3A_3] : memref<1x50080xf32, #tpu.memory_space<vmem>> -> memref<1x49920xf32, #tpu.memory_space<vmem>>
    %dma_start3A_5 = arith.constant 0 : i32
    %dma_start3A_6 = tpu.memref_slice %arg3[%mul3A_2, %dma_start3A_5] : memref<832x100000xf32, #tpu.memory_space<hbm>> -> memref<1x49920xf32, #tpu.memory_space<hbm>>
    %dma_start3A_7 = arith.constant 0 : i32
    %dma_start3A_8 = arith.constant 0 : i32
    %dma_start3A_9 = tpu.memref_slice %arg6[%dma_start3A_7, %dma_start3A_8] : memref<1x50080xf32, #tpu.memory_space<vmem>> -> memref<1x49920xf32, #tpu.memory_space<vmem>>
    %dma_start3A_10 = arith.constant 0 : i32
    %dma_start3A_11 = tpu.memref_slice %arg3[%mul3A_2, %dma_start3A_10] : memref<832x100000xf32, #tpu.memory_space<hbm>> -> memref<1x49920xf32, #tpu.memory_space<hbm>>
    tpu.enqueue_dma source(%dma_start3A_11 : memref<1x49920xf32, #tpu.memory_space<hbm>>) target(%dma_start3A_9 : memref<1x49920xf32, #tpu.memory_space<vmem>>) target_semaphore(%arg11 : memref<!tpu.dma_semaphore, #tpu.memory_space<semaphore_mem>>)
    %dma_start3A_12 = arith.constant 0 : i32
    %dma_start3A_13 = arith.constant 0 : i32
    %dma_start3A_14 = tpu.memref_slice %arg7[%dma_start3A_12, %dma_start3A_13] : memref<1x50080xf32, #tpu.memory_space<vmem>> -> memref<1x49920xf32, #tpu.memory_space<vmem>>
    %dma_start3A_15 = arith.constant 49920 : i32
    %dma_start3A_16 = tpu.memref_slice %arg3[%mul3A_2, %dma_start3A_15] : memref<832x100000xf32, #tpu.memory_space<hbm>> -> memref<1x49920xf32, #tpu.memory_space<hbm>>
    %dma_start3A_17 = arith.constant 0 : i32
    %dma_start3A_18 = arith.constant 0 : i32
    %dma_start3A_19 = tpu.memref_slice %arg7[%dma_start3A_17, %dma_start3A_18] : memref<1x50080xf32, #tpu.memory_space<vmem>> -> memref<1x49920xf32, #tpu.memory_space<vmem>>
    %dma_start3A_20 = arith.constant 49920 : i32
    %dma_start3A_21 = tpu.memref_slice %arg3[%mul3A_2, %dma_start3A_20] : memref<832x100000xf32, #tpu.memory_space<hbm>> -> memref<1x49920xf32, #tpu.memory_space<hbm>>
    tpu.enqueue_dma source(%dma_start3A_21 : memref<1x49920xf32, #tpu.memory_space<hbm>>) target(%dma_start3A_19 : memref<1x49920xf32, #tpu.memory_space<vmem>>) target_semaphore(%arg12 : memref<!tpu.dma_semaphore, #tpu.memory_space<semaphore_mem>>)
    %dma_start3A_22 = arith.constant 0 : i32
    %dma_start3A_23 = arith.constant 49920 : i32
    %dma_start3A_24 = tpu.memref_slice %arg7[%dma_start3A_22, %dma_start3A_23] : memref<1x50080xf32, #tpu.memory_space<vmem>> -> memref<1x160xf32, #tpu.memory_space<vmem>>
    %dma_start3A_25 = arith.constant 0 : i32
    %dma_start3A_26 = tpu.memref_slice %arg4[%mul3A_2, %dma_start3A_25] : memref<832x160xf32, #tpu.memory_space<hbm>> -> memref<1x160xf32, #tpu.memory_space<hbm>>
    %dma_start3A_27 = arith.constant 0 : i32
    %dma_start3A_28 = arith.constant 49920 : i32
    %dma_start3A_29 = tpu.memref_slice %arg7[%dma_start3A_27, %dma_start3A_28] : memref<1x50080xf32, #tpu.memory_space<vmem>> -> memref<1x160xf32, #tpu.memory_space<vmem>>
    %dma_start3A_30 = arith.constant 0 : i32
    %dma_start3A_31 = tpu.memref_slice %arg4[%mul3A_2, %dma_start3A_30] : memref<832x160xf32, #tpu.memory_space<hbm>> -> memref<1x160xf32, #tpu.memory_space<hbm>>
    tpu.enqueue_dma source(%dma_start3A_31 : memref<1x160xf32, #tpu.memory_space<hbm>>) target(%dma_start3A_29 : memref<1x160xf32, #tpu.memory_space<vmem>>) target_semaphore(%arg12 : memref<!tpu.dma_semaphore, #tpu.memory_space<semaphore_mem>>)
    %scan3A = arith.constant 0 : i32
    %scan3A_32 = arith.constant 0 : i32
    %scan3A_33 = arith.constant 26 : i32
    %scan3A_34 = arith.addi %scan3A_32, %scan3A_33 : i32
    %scan3A_35 = arith.constant 1 : i32
    scf.for %scan3A_48 = %scan3A_32 to %scan3A_34 step %scan3A_35  : i32 {
      %add3A_49 = arith.addi %mul3A_2, %scan3A_48 : i32
      %gt3A = arith.constant 0 : i32
      %gt3A_50 = arith.cmpi sgt, %scan3A_48, %gt3A : i32
      %convert_element_type3A = arith.extui %gt3A_50 : i1 to i32
      %cond3A = arith.constant 0 : i32
      %cond3A_51 = arith.cmpi ne, %convert_element_type3A, %cond3A : i32
      scf.if %cond3A_51 {
        %dma_wait3A_202 = arith.constant 0 : i32
        %dma_wait3A_203 = tpu.memref_slice %arg5[%add3A_49, %dma_wait3A_202] : memref<832x16384xf32, #tpu.memory_space<hbm>> -> memref<1x8192xf32, #tpu.memory_space<hbm>>
        %dma_wait3A_204 = tpu.memref_squeeze %dma_wait3A_203 : memref<1x8192xf32, #tpu.memory_space<hbm>> -> memref<8192xf32, #tpu.memory_space<hbm>>
        %dma_wait3A_205 = arith.constant 0 : i32
        %dma_wait3A_206 = tpu.memref_slice %arg5[%add3A_49, %dma_wait3A_205] : memref<832x16384xf32, #tpu.memory_space<hbm>> -> memref<1x8192xf32, #tpu.memory_space<hbm>>
        %dma_wait3A_207 = tpu.memref_squeeze %dma_wait3A_206 : memref<1x8192xf32, #tpu.memory_space<hbm>> -> memref<8192xf32, #tpu.memory_space<hbm>>
        tpu.wait_dma2 semaphore(%arg13 : memref<!tpu.dma_semaphore, #tpu.memory_space<semaphore_mem>>) src(%arg9 : memref<8192xf32, #tpu.memory_space<vmem>>) dst(%dma_wait3A_207 : memref<8192xf32, #tpu.memory_space<hbm>>)
        %dma_wait3A_208 = arith.constant 8192 : i32
        %dma_wait3A_209 = tpu.memref_slice %arg5[%add3A_49, %dma_wait3A_208] : memref<832x16384xf32, #tpu.memory_space<hbm>> -> memref<1x8192xf32, #tpu.memory_space<hbm>>
        %dma_wait3A_210 = tpu.memref_squeeze %dma_wait3A_209 : memref<1x8192xf32, #tpu.memory_space<hbm>> -> memref<8192xf32, #tpu.memory_space<hbm>>
        %dma_wait3A_211 = arith.constant 8192 : i32
        %dma_wait3A_212 = tpu.memref_slice %arg5[%add3A_49, %dma_wait3A_211] : memref<832x16384xf32, #tpu.memory_space<hbm>> -> memref<1x8192xf32, #tpu.memory_space<hbm>>
        %dma_wait3A_213 = tpu.memref_squeeze %dma_wait3A_212 : memref<1x8192xf32, #tpu.memory_space<hbm>> -> memref<8192xf32, #tpu.memory_space<hbm>>
        tpu.wait_dma2 semaphore(%arg14 : memref<!tpu.dma_semaphore, #tpu.memory_space<semaphore_mem>>) src(%arg10 : memref<8192xf32, #tpu.memory_space<vmem>>) dst(%dma_wait3A_213 : memref<8192xf32, #tpu.memory_space<hbm>>)
      } else {
      }
      %dma_wait3A_52 = arith.constant 0 : i32
      %dma_wait3A_53 = arith.constant 0 : i32
      %dma_wait3A_54 = tpu.memref_slice %arg6[%dma_wait3A_52, %dma_wait3A_53] : memref<1x50080xf32, #tpu.memory_space<vmem>> -> memref<1x49920xf32, #tpu.memory_space<vmem>>
      %dma_wait3A_55 = arith.constant 0 : i32
      %dma_wait3A_56 = tpu.memref_slice %arg3[%add3A_49, %dma_wait3A_55] : memref<832x100000xf32, #tpu.memory_space<hbm>> -> memref<1x49920xf32, #tpu.memory_space<hbm>>
      %dma_wait3A_57 = arith.constant 0 : i32
      %dma_wait3A_58 = arith.constant 0 : i32
      %dma_wait3A_59 = tpu.memref_slice %arg6[%dma_wait3A_57, %dma_wait3A_58] : memref<1x50080xf32, #tpu.memory_space<vmem>> -> memref<1x49920xf32, #tpu.memory_space<vmem>>
      %dma_wait3A_60 = arith.constant 0 : i32
      %dma_wait3A_61 = tpu.memref_slice %arg3[%add3A_49, %dma_wait3A_60] : memref<832x100000xf32, #tpu.memory_space<hbm>> -> memref<1x49920xf32, #tpu.memory_space<hbm>>
      tpu.wait_dma2 semaphore(%arg11 : memref<!tpu.dma_semaphore, #tpu.memory_space<semaphore_mem>>) src(%dma_wait3A_61 : memref<1x49920xf32, #tpu.memory_space<hbm>>) dst(%dma_wait3A_59 : memref<1x49920xf32, #tpu.memory_space<vmem>>)
      %jit3A = arith.constant 32 : i32
      %div3A = arith.divsi %add3A_49, %jit3A : i32
      %sign3A = arith.constant 0 : i32
      %sign3A_62 = arith.cmpi sgt, %add3A_49, %sign3A : i32
      %sign3A_63 = arith.extui %sign3A_62 : i1 to i32
      %sign3A_64 = arith.constant 0 : i32
      %sign3A_65 = arith.cmpi slt, %add3A_49, %sign3A_64 : i32
      %sign3A_66 = arith.extui %sign3A_65 : i1 to i32
      %sign3A_67 = arith.subi %sign3A_63, %sign3A_66 : i32
      %sign3A_68 = arith.constant 0 : i32
      %sign3A_69 = arith.cmpi sgt, %jit3A, %sign3A_68 : i32
      %sign3A_70 = arith.extui %sign3A_69 : i1 to i32
      %sign3A_71 = arith.constant 0 : i32
      %sign3A_72 = arith.cmpi slt, %jit3A, %sign3A_71 : i32
      %sign3A_73 = arith.extui %sign3A_72 : i1 to i32
      %sign3A_74 = arith.subi %sign3A_70, %sign3A_73 : i32
      %ne3A = arith.cmpi ne, %sign3A_67, %sign3A_74 : i32
      %rem3A = arith.remsi %add3A_49, %jit3A : i32
      %ne3A_75 = arith.constant 0 : i32
      %ne3A_76 = arith.cmpi ne, %rem3A, %ne3A_75 : i32
      %and3A = arith.andi %ne3A, %ne3A_76 : i1
      %sub3A = arith.constant 1 : i32
      %sub3A_77 = arith.subi %div3A, %sub3A : i32
      %select_n3A = arith.select %and3A, %sub3A_77, %div3A : i32
      "tpu.region"() ({
        %run_scoped3A = tpu.sem_alloc : memref<!tpu.dma_semaphore, #tpu.memory_space<semaphore_mem>>
        %dma_start3A_202 = arith.constant 0 : i32
        %dma_start3A_203 = tpu.memref_slice %arg2[%select_n3A, %dma_start3A_202] : memref<26x16384xi32, #tpu.memory_space<hbm>> -> memref<1x8192xi32, #tpu.memory_space<hbm>>
        %dma_start3A_204 = tpu.memref_squeeze %dma_start3A_203 : memref<1x8192xi32, #tpu.memory_space<hbm>> -> memref<8192xi32, #tpu.memory_space<hbm>>
        %dma_start3A_205 = arith.constant 0 : i32
        %dma_start3A_206 = tpu.memref_slice %arg2[%select_n3A, %dma_start3A_205] : memref<26x16384xi32, #tpu.memory_space<hbm>> -> memref<1x8192xi32, #tpu.memory_space<hbm>>
        %dma_start3A_207 = tpu.memref_squeeze %dma_start3A_206 : memref<1x8192xi32, #tpu.memory_space<hbm>> -> memref<8192xi32, #tpu.memory_space<hbm>>
        tpu.enqueue_dma source(%dma_start3A_207 : memref<8192xi32, #tpu.memory_space<hbm>>) target(%arg8 : memref<8192xi32, #tpu.memory_space<vmem>>) target_semaphore(%run_scoped3A : memref<!tpu.dma_semaphore, #tpu.memory_space<semaphore_mem>>)
        %dma_wait3A_208 = arith.constant 0 : i32
        %dma_wait3A_209 = tpu.memref_slice %arg2[%select_n3A, %dma_wait3A_208] : memref<26x16384xi32, #tpu.memory_space<hbm>> -> memref<1x8192xi32, #tpu.memory_space<hbm>>
        %dma_wait3A_210 = tpu.memref_squeeze %dma_wait3A_209 : memref<1x8192xi32, #tpu.memory_space<hbm>> -> memref<8192xi32, #tpu.memory_space<hbm>>
        %dma_wait3A_211 = arith.constant 0 : i32
        %dma_wait3A_212 = tpu.memref_slice %arg2[%select_n3A, %dma_wait3A_211] : memref<26x16384xi32, #tpu.memory_space<hbm>> -> memref<1x8192xi32, #tpu.memory_space<hbm>>
        %dma_wait3A_213 = tpu.memref_squeeze %dma_wait3A_212 : memref<1x8192xi32, #tpu.memory_space<hbm>> -> memref<8192xi32, #tpu.memory_space<hbm>>
        tpu.wait_dma2 semaphore(%run_scoped3A : memref<!tpu.dma_semaphore, #tpu.memory_space<semaphore_mem>>) src(%dma_wait3A_213 : memref<8192xi32, #tpu.memory_space<hbm>>) dst(%arg8 : memref<8192xi32, #tpu.memory_space<vmem>>)
        tpu.yield
      }) : () -> ()
      %broadcast_in_dim3A = arith.constant 0 : i32
      %broadcast_in_dim3A_78 = vector.broadcast %broadcast_in_dim3A : i32 to vector<16xi32>
      %scan3A_79 = arith.constant 0 : i32
      %scan3A_80 = arith.constant 0 : i32
      %scan3A_81 = arith.constant 64 : i32
      %scan3A_82 = arith.addi %scan3A_80, %scan3A_81 : i32
      %scan3A_83 = arith.constant 1 : i32
      scf.for %scan3A_202 = %scan3A_80 to %scan3A_82 step %scan3A_83  : i32 {
        %mul3A_203 = arith.constant 8 : i32
        %mul3A_204 = arith.muli %scan3A_202, %mul3A_203 : i32
        %add3A_205 = arith.constant 0 : i32
        %add3A_206 = arith.addi %mul3A_204, %add3A_205 : i32
        %mul3A_207 = arith.constant 16 : i32
        %mul3A_208 = arith.muli %add3A_206, %mul3A_207 : i32
        %get3A = arith.index_cast %mul3A_208 : i32 to index
        %get3A_209 = tpu.vector_load %arg8[%get3A] {strides = array<i32>} : memref<8192xi32, #tpu.memory_space<vmem>>, vector<16xi32>,
        %ge3A = arith.constant 0 : i32
        %ge3A_210 = vector.broadcast %ge3A : i32 to vector<16xi32>
        %ge3A_211 = arith.cmpi sge, %get3A_209, %ge3A_210 : vector<16xi32>
        %lt3A_212 = arith.constant 49920 : i32
        %lt3A_213 = vector.broadcast %lt3A_212 : i32 to vector<16xi32>
        %lt3A_214 = arith.cmpi slt, %get3A_209, %lt3A_213 : vector<16xi32>
        %and3A_215 = arith.andi %ge3A_211, %lt3A_214 : vector<16xi1>
        %sub3A_216 = arith.constant 0 : i32
        %sub3A_217 = vector.broadcast %sub3A_216 : i32 to vector<16xi32>
        %sub3A_218 = arith.subi %get3A_209, %sub3A_217 : vector<16xi32>
        %jit3A_219 = arith.constant 0 : i32
        %broadcast_in_dim3A_220 = vector.broadcast %jit3A_219 : i32 to vector<16xi32>
        %select_n3A_221 = arith.select %and3A_215, %sub3A_218, %broadcast_in_dim3A_220 : vector<16xi1>, vector<16xi32>
        %gather3A = tpu.vector_load_idx %arg6[%broadcast_in_dim3A_78, %select_n3A_221] : memref<1x50080xf32, #tpu.memory_space<vmem>>[vector<16xi32>, vector<16xi32>], vector<16xf32>,
        %get3A_222 = arith.index_cast %mul3A_208 : i32 to index
        %get3A_223 = tpu.vector_load %arg9[%get3A_222] {strides = array<i32>} : memref<8192xf32, #tpu.memory_space<vmem>>, vector<16xf32>,
        %select_n3A_224 = arith.select %and3A_215, %gather3A, %get3A_223 : vector<16xi1>, vector<16xf32>
        %swap3A = arith.index_cast %mul3A_208 : i32 to index
        %swap3A_225 = tpu.vector_load %arg9[%swap3A] {strides = array<i32>} : memref<8192xf32, #tpu.memory_space<vmem>>, vector<16xf32>,
        tpu.vector_store %arg9[%swap3A], %select_n3A_224 {strides = array<i32>} : memref<8192xf32, #tpu.memory_space<vmem>>, vector<16xf32>,
        %mul3A_226 = arith.constant 8 : i32
        %mul3A_227 = arith.muli %scan3A_202, %mul3A_226 : i32
        %add3A_228 = arith.constant 1 : i32
        %add3A_229 = arith.addi %mul3A_227, %add3A_228 : i32
        %mul3A_230 = arith.constant 16 : i32
        %mul3A_231 = arith.muli %add3A_229, %mul3A_230 : i32
        %get3A_232 = arith.index_cast %mul3A_231 : i32 to index
        %get3A_233 = tpu.vector_load %arg8[%get3A_232] {strides = array<i32>} : memref<8192xi32, #tpu.memory_space<vmem>>, vector<16xi32>,
        %ge3A_234 = arith.constant 0 : i32
        %ge3A_235 = vector.broadcast %ge3A_234 : i32 to vector<16xi32>
        %ge3A_236 = arith.cmpi sge, %get3A_233, %ge3A_235 : vector<16xi32>
        %lt3A_237 = arith.constant 49920 : i32
        %lt3A_238 = vector.broadcast %lt3A_237 : i32 to vector<16xi32>
        %lt3A_239 = arith.cmpi slt, %get3A_233, %lt3A_238 : vector<16xi32>
        %and3A_240 = arith.andi %ge3A_236, %lt3A_239 : vector<16xi1>
        %sub3A_241 = arith.constant 0 : i32
        %sub3A_242 = vector.broadcast %sub3A_241 : i32 to vector<16xi32>
        %sub3A_243 = arith.subi %get3A_233, %sub3A_242 : vector<16xi32>
        %jit3A_244 = arith.constant 0 : i32
        %broadcast_in_dim3A_245 = vector.broadcast %jit3A_244 : i32 to vector<16xi32>
        %select_n3A_246 = arith.select %and3A_240, %sub3A_243, %broadcast_in_dim3A_245 : vector<16xi1>, vector<16xi32>
        %gather3A_247 = tpu.vector_load_idx %arg6[%broadcast_in_dim3A_78, %select_n3A_246] : memref<1x50080xf32, #tpu.memory_space<vmem>>[vector<16xi32>, vector<16xi32>], vector<16xf32>,
        %get3A_248 = arith.index_cast %mul3A_231 : i32 to index
        %get3A_249 = tpu.vector_load %arg9[%get3A_248] {strides = array<i32>} : memref<8192xf32, #tpu.memory_space<vmem>>, vector<16xf32>,
        %select_n3A_250 = arith.select %and3A_240, %gather3A_247, %get3A_249 : vector<16xi1>, vector<16xf32>
        %swap3A_251 = arith.index_cast %mul3A_231 : i32 to index
        %swap3A_252 = tpu.vector_load %arg9[%swap3A_251] {strides = array<i32>} : memref<8192xf32, #tpu.memory_space<vmem>>, vector<16xf32>,
        tpu.vector_store %arg9[%swap3A_251], %select_n3A_250 {strides = array<i32>} : memref<8192xf32, #tpu.memory_space<vmem>>, vector<16xf32>,
        %mul3A_253 = arith.constant 8 : i32
        %mul3A_254 = arith.muli %scan3A_202, %mul3A_253 : i32
        %add3A_255 = arith.constant 2 : i32
        %add3A_256 = arith.addi %mul3A_254, %add3A_255 : i32
        %mul3A_257 = arith.constant 16 : i32
        %mul3A_258 = arith.muli %add3A_256, %mul3A_257 : i32
        %get3A_259 = arith.index_cast %mul3A_258 : i32 to index
        %get3A_260 = tpu.vector_load %arg8[%get3A_259] {strides = array<i32>} : memref<8192xi32, #tpu.memory_space<vmem>>, vector<16xi32>,
        %ge3A_261 = arith.constant 0 : i32
        %ge3A_262 = vector.broadcast %ge3A_261 : i32 to vector<16xi32>
        %ge3A_263 = arith.cmpi sge, %get3A_260, %ge3A_262 : vector<16xi32>
        %lt3A_264 = arith.constant 49920 : i32
        %lt3A_265 = vector.broadcast %lt3A_264 : i32 to vector<16xi32>
        %lt3A_266 = arith.cmpi slt, %get3A_260, %lt3A_265 : vector<16xi32>
        %and3A_267 = arith.andi %ge3A_263, %lt3A_266 : vector<16xi1>
        %sub3A_268 = arith.constant 0 : i32
        %sub3A_269 = vector.broadcast %sub3A_268 : i32 to vector<16xi32>
        %sub3A_270 = arith.subi %get3A_260, %sub3A_269 : vector<16xi32>
        %jit3A_271 = arith.constant 0 : i32
        %broadcast_in_dim3A_272 = vector.broadcast %jit3A_271 : i32 to vector<16xi32>
        %select_n3A_273 = arith.select %and3A_267, %sub3A_270, %broadcast_in_dim3A_272 : vector<16xi1>, vector<16xi32>
        %gather3A_274 = tpu.vector_load_idx %arg6[%broadcast_in_dim3A_78, %select_n3A_273] : memref<1x50080xf32, #tpu.memory_space<vmem>>[vector<16xi32>, vector<16xi32>], vector<16xf32>,
        %get3A_275 = arith.index_cast %mul3A_258 : i32 to index
        %get3A_276 = tpu.vector_load %arg9[%get3A_275] {strides = array<i32>} : memref<8192xf32, #tpu.memory_space<vmem>>, vector<16xf32>,
        %select_n3A_277 = arith.select %and3A_267, %gather3A_274, %get3A_276 : vector<16xi1>, vector<16xf32>
        %swap3A_278 = arith.index_cast %mul3A_258 : i32 to index
        %swap3A_279 = tpu.vector_load %arg9[%swap3A_278] {strides = array<i32>} : memref<8192xf32, #tpu.memory_space<vmem>>, vector<16xf32>,
        tpu.vector_store %arg9[%swap3A_278], %select_n3A_277 {strides = array<i32>} : memref<8192xf32, #tpu.memory_space<vmem>>, vector<16xf32>,
        %mul3A_280 = arith.constant 8 : i32
        %mul3A_281 = arith.muli %scan3A_202, %mul3A_280 : i32
        %add3A_282 = arith.constant 3 : i32
        %add3A_283 = arith.addi %mul3A_281, %add3A_282 : i32
        %mul3A_284 = arith.constant 16 : i32
        %mul3A_285 = arith.muli %add3A_283, %mul3A_284 : i32
        %get3A_286 = arith.index_cast %mul3A_285 : i32 to index
        %get3A_287 = tpu.vector_load %arg8[%get3A_286] {strides = array<i32>} : memref<8192xi32, #tpu.memory_space<vmem>>, vector<16xi32>,
        %ge3A_288 = arith.constant 0 : i32
        %ge3A_289 = vector.broadcast %ge3A_288 : i32 to vector<16xi32>
        %ge3A_290 = arith.cmpi sge, %get3A_287, %ge3A_289 : vector<16xi32>
        %lt3A_291 = arith.constant 49920 : i32
        %lt3A_292 = vector.broadcast %lt3A_291 : i32 to vector<16xi32>
        %lt3A_293 = arith.cmpi slt, %get3A_287, %lt3A_292 : vector<16xi32>
        %and3A_294 = arith.andi %ge3A_290, %lt3A_293 : vector<16xi1>
        %sub3A_295 = arith.constant 0 : i32
        %sub3A_296 = vector.broadcast %sub3A_295 : i32 to vector<16xi32>
        %sub3A_297 = arith.subi %get3A_287, %sub3A_296 : vector<16xi32>
        %jit3A_298 = arith.constant 0 : i32
        %broadcast_in_dim3A_299 = vector.broadcast %jit3A_298 : i32 to vector<16xi32>
        %select_n3A_300 = arith.select %and3A_294, %sub3A_297, %broadcast_in_dim3A_299 : vector<16xi1>, vector<16xi32>
        %gather3A_301 = tpu.vector_load_idx %arg6[%broadcast_in_dim3A_78, %select_n3A_300] : memref<1x50080xf32, #tpu.memory_space<vmem>>[vector<16xi32>, vector<16xi32>], vector<16xf32>,
        %get3A_302 = arith.index_cast %mul3A_285 : i32 to index
        %get3A_303 = tpu.vector_load %arg9[%get3A_302] {strides = array<i32>} : memref<8192xf32, #tpu.memory_space<vmem>>, vector<16xf32>,
        %select_n3A_304 = arith.select %and3A_294, %gather3A_301, %get3A_303 : vector<16xi1>, vector<16xf32>
        %swap3A_305 = arith.index_cast %mul3A_285 : i32 to index
        %swap3A_306 = tpu.vector_load %arg9[%swap3A_305] {strides = array<i32>} : memref<8192xf32, #tpu.memory_space<vmem>>, vector<16xf32>,
        tpu.vector_store %arg9[%swap3A_305], %select_n3A_304 {strides = array<i32>} : memref<8192xf32, #tpu.memory_space<vmem>>, vector<16xf32>,
        %mul3A_307 = arith.constant 8 : i32
        %mul3A_308 = arith.muli %scan3A_202, %mul3A_307 : i32
        %add3A_309 = arith.constant 4 : i32
        %add3A_310 = arith.addi %mul3A_308, %add3A_309 : i32
        %mul3A_311 = arith.constant 16 : i32
        %mul3A_312 = arith.muli %add3A_310, %mul3A_311 : i32
        %get3A_313 = arith.index_cast %mul3A_312 : i32 to index
        %get3A_314 = tpu.vector_load %arg8[%get3A_313] {strides = array<i32>} : memref<8192xi32, #tpu.memory_space<vmem>>, vector<16xi32>,
        %ge3A_315 = arith.constant 0 : i32
        %ge3A_316 = vector.broadcast %ge3A_315 : i32 to vector<16xi32>
        %ge3A_317 = arith.cmpi sge, %get3A_314, %ge3A_316 : vector<16xi32>
        %lt3A_318 = arith.constant 49920 : i32
        %lt3A_319 = vector.broadcast %lt3A_318 : i32 to vector<16xi32>
        %lt3A_320 = arith.cmpi slt, %get3A_314, %lt3A_319 : vector<16xi32>
        %and3A_321 = arith.andi %ge3A_317, %lt3A_320 : vector<16xi1>
        %sub3A_322 = arith.constant 0 : i32
        %sub3A_323 = vector.broadcast %sub3A_322 : i32 to vector<16xi32>
        %sub3A_324 = arith.subi %get3A_314, %sub3A_323 : vector<16xi32>
        %jit3A_325 = arith.constant 0 : i32
        %broadcast_in_dim3A_326 = vector.broadcast %jit3A_325 : i32 to vector<16xi32>
        %select_n3A_327 = arith.select %and3A_321, %sub3A_324, %broadcast_in_dim3A_326 : vector<16xi1>, vector<16xi32>
        %gather3A_328 = tpu.vector_load_idx %arg6[%broadcast_in_dim3A_78, %select_n3A_327] : memref<1x50080xf32, #tpu.memory_space<vmem>>[vector<16xi32>, vector<16xi32>], vector<16xf32>,
        %get3A_329 = arith.index_cast %mul3A_312 : i32 to index
        %get3A_330 = tpu.vector_load %arg9[%get3A_329] {strides = array<i32>} : memref<8192xf32, #tpu.memory_space<vmem>>, vector<16xf32>,
        %select_n3A_331 = arith.select %and3A_321, %gather3A_328, %get3A_330 : vector<16xi1>, vector<16xf32>
        %swap3A_332 = arith.index_cast %mul3A_312 : i32 to index
        %swap3A_333 = tpu.vector_load %arg9[%swap3A_332] {strides = array<i32>} : memref<8192xf32, #tpu.memory_space<vmem>>, vector<16xf32>,
        tpu.vector_store %arg9[%swap3A_332], %select_n3A_331 {strides = array<i32>} : memref<8192xf32, #tpu.memory_space<vmem>>, vector<16xf32>,
        %mul3A_334 = arith.constant 8 : i32
        %mul3A_335 = arith.muli %scan3A_202, %mul3A_334 : i32
        %add3A_336 = arith.constant 5 : i32
        %add3A_337 = arith.addi %mul3A_335, %add3A_336 : i32
        %mul3A_338 = arith.constant 16 : i32
        %mul3A_339 = arith.muli %add3A_337, %mul3A_338 : i32
        %get3A_340 = arith.index_cast %mul3A_339 : i32 to index
        %get3A_341 = tpu.vector_load %arg8[%get3A_340] {strides = array<i32>} : memref<8192xi32, #tpu.memory_space<vmem>>, vector<16xi32>,
        %ge3A_342 = arith.constant 0 : i32
        %ge3A_343 = vector.broadcast %ge3A_342 : i32 to vector<16xi32>
        %ge3A_344 = arith.cmpi sge, %get3A_341, %ge3A_343 : vector<16xi32>
        %lt3A_345 = arith.constant 49920 : i32
        %lt3A_346 = vector.broadcast %lt3A_345 : i32 to vector<16xi32>
        %lt3A_347 = arith.cmpi slt, %get3A_341, %lt3A_346 : vector<16xi32>
        %and3A_348 = arith.andi %ge3A_344, %lt3A_347 : vector<16xi1>
        %sub3A_349 = arith.constant 0 : i32
        %sub3A_350 = vector.broadcast %sub3A_349 : i32 to vector<16xi32>
        %sub3A_351 = arith.subi %get3A_341, %sub3A_350 : vector<16xi32>
        %jit3A_352 = arith.constant 0 : i32
        %broadcast_in_dim3A_353 = vector.broadcast %jit3A_352 : i32 to vector<16xi32>
        %select_n3A_354 = arith.select %and3A_348, %sub3A_351, %broadcast_in_dim3A_353 : vector<16xi1>, vector<16xi32>
        %gather3A_355 = tpu.vector_load_idx %arg6[%broadcast_in_dim3A_78, %select_n3A_354] : memref<1x50080xf32, #tpu.memory_space<vmem>>[vector<16xi32>, vector<16xi32>], vector<16xf32>,
        %get3A_356 = arith.index_cast %mul3A_339 : i32 to index
        %get3A_357 = tpu.vector_load %arg9[%get3A_356] {strides = array<i32>} : memref<8192xf32, #tpu.memory_space<vmem>>, vector<16xf32>,
        %select_n3A_358 = arith.select %and3A_348, %gather3A_355, %get3A_357 : vector<16xi1>, vector<16xf32>
        %swap3A_359 = arith.index_cast %mul3A_339 : i32 to index
        %swap3A_360 = tpu.vector_load %arg9[%swap3A_359] {strides = array<i32>} : memref<8192xf32, #tpu.memory_space<vmem>>, vector<16xf32>,
        tpu.vector_store %arg9[%swap3A_359], %select_n3A_358 {strides = array<i32>} : memref<8192xf32, #tpu.memory_space<vmem>>, vector<16xf32>,
        %mul3A_361 = arith.constant 8 : i32
        %mul3A_362 = arith.muli %scan3A_202, %mul3A_361 : i32
        %add3A_363 = arith.constant 6 : i32
        %add3A_364 = arith.addi %mul3A_362, %add3A_363 : i32
        %mul3A_365 = arith.constant 16 : i32
        %mul3A_366 = arith.muli %add3A_364, %mul3A_365 : i32
        %get3A_367 = arith.index_cast %mul3A_366 : i32 to index
        %get3A_368 = tpu.vector_load %arg8[%get3A_367] {strides = array<i32>} : memref<8192xi32, #tpu.memory_space<vmem>>, vector<16xi32>,
        %ge3A_369 = arith.constant 0 : i32
        %ge3A_370 = vector.broadcast %ge3A_369 : i32 to vector<16xi32>
        %ge3A_371 = arith.cmpi sge, %get3A_368, %ge3A_370 : vector<16xi32>
        %lt3A_372 = arith.constant 49920 : i32
        %lt3A_373 = vector.broadcast %lt3A_372 : i32 to vector<16xi32>
        %lt3A_374 = arith.cmpi slt, %get3A_368, %lt3A_373 : vector<16xi32>
        %and3A_375 = arith.andi %ge3A_371, %lt3A_374 : vector<16xi1>
        %sub3A_376 = arith.constant 0 : i32
        %sub3A_377 = vector.broadcast %sub3A_376 : i32 to vector<16xi32>
        %sub3A_378 = arith.subi %get3A_368, %sub3A_377 : vector<16xi32>
        %jit3A_379 = arith.constant 0 : i32
        %broadcast_in_dim3A_380 = vector.broadcast %jit3A_379 : i32 to vector<16xi32>
        %select_n3A_381 = arith.select %and3A_375, %sub3A_378, %broadcast_in_dim3A_380 : vector<16xi1>, vector<16xi32>
        %gather3A_382 = tpu.vector_load_idx %arg6[%broadcast_in_dim3A_78, %select_n3A_381] : memref<1x50080xf32, #tpu.memory_space<vmem>>[vector<16xi32>, vector<16xi32>], vector<16xf32>,
        %get3A_383 = arith.index_cast %mul3A_366 : i32 to index
        %get3A_384 = tpu.vector_load %arg9[%get3A_383] {strides = array<i32>} : memref<8192xf32, #tpu.memory_space<vmem>>, vector<16xf32>,
        %select_n3A_385 = arith.select %and3A_375, %gather3A_382, %get3A_384 : vector<16xi1>, vector<16xf32>
        %swap3A_386 = arith.index_cast %mul3A_366 : i32 to index
        %swap3A_387 = tpu.vector_load %arg9[%swap3A_386] {strides = array<i32>} : memref<8192xf32, #tpu.memory_space<vmem>>, vector<16xf32>,
        tpu.vector_store %arg9[%swap3A_386], %select_n3A_385 {strides = array<i32>} : memref<8192xf32, #tpu.memory_space<vmem>>, vector<16xf32>,
        %mul3A_388 = arith.constant 8 : i32
        %mul3A_389 = arith.muli %scan3A_202, %mul3A_388 : i32
        %add3A_390 = arith.constant 7 : i32
        %add3A_391 = arith.addi %mul3A_389, %add3A_390 : i32
        %mul3A_392 = arith.constant 16 : i32
        %mul3A_393 = arith.muli %add3A_391, %mul3A_392 : i32
        %get3A_394 = arith.index_cast %mul3A_393 : i32 to index
        %get3A_395 = tpu.vector_load %arg8[%get3A_394] {strides = array<i32>} : memref<8192xi32, #tpu.memory_space<vmem>>, vector<16xi32>,
        %ge3A_396 = arith.constant 0 : i32
        %ge3A_397 = vector.broadcast %ge3A_396 : i32 to vector<16xi32>
        %ge3A_398 = arith.cmpi sge, %get3A_395, %ge3A_397 : vector<16xi32>
        %lt3A_399 = arith.constant 49920 : i32
        %lt3A_400 = vector.broadcast %lt3A_399 : i32 to vector<16xi32>
        %lt3A_401 = arith.cmpi slt, %get3A_395, %lt3A_400 : vector<16xi32>
        %and3A_402 = arith.andi %ge3A_398, %lt3A_401 : vector<16xi1>
        %sub3A_403 = arith.constant 0 : i32
        %sub3A_404 = vector.broadcast %sub3A_403 : i32 to vector<16xi32>
        %sub3A_405 = arith.subi %get3A_395, %sub3A_404 : vector<16xi32>
        %jit3A_406 = arith.constant 0 : i32
        %broadcast_in_dim3A_407 = vector.broadcast %jit3A_406 : i32 to vector<16xi32>
        %select_n3A_408 = arith.select %and3A_402, %sub3A_405, %broadcast_in_dim3A_407 : vector<16xi1>, vector<16xi32>
        %gather3A_409 = tpu.vector_load_idx %arg6[%broadcast_in_dim3A_78, %select_n3A_408] : memref<1x50080xf32, #tpu.memory_space<vmem>>[vector<16xi32>, vector<16xi32>], vector<16xf32>,
        %get3A_410 = arith.index_cast %mul3A_393 : i32 to index
        %get3A_411 = tpu.vector_load %arg9[%get3A_410] {strides = array<i32>} : memref<8192xf32, #tpu.memory_space<vmem>>, vector<16xf32>,
        %select_n3A_412 = arith.select %and3A_402, %gather3A_409, %get3A_411 : vector<16xi1>, vector<16xf32>
        %swap3A_413 = arith.index_cast %mul3A_393 : i32 to index
        %swap3A_414 = tpu.vector_load %arg9[%swap3A_413] {strides = array<i32>} : memref<8192xf32, #tpu.memory_space<vmem>>, vector<16xf32>,
        tpu.vector_store %arg9[%swap3A_413], %select_n3A_412 {strides = array<i32>} : memref<8192xf32, #tpu.memory_space<vmem>>, vector<16xf32>,
      }
      %scan3A_84 = arith.constant 64 : i32
      %jit3A_85 = arith.constant 32 : i32
      %div3A_86 = arith.divsi %add3A_49, %jit3A_85 : i32
      %sign3A_87 = arith.constant 0 : i32
      %sign3A_88 = arith.cmpi sgt, %add3A_49, %sign3A_87 : i32
      %sign3A_89 = arith.extui %sign3A_88 : i1 to i32
      %sign3A_90 = arith.constant 0 : i32
      %sign3A_91 = arith.cmpi slt, %add3A_49, %sign3A_90 : i32
      %sign3A_92 = arith.extui %sign3A_91 : i1 to i32
      %sign3A_93 = arith.subi %sign3A_89, %sign3A_92 : i32
      %sign3A_94 = arith.constant 0 : i32
      %sign3A_95 = arith.cmpi sgt, %jit3A_85, %sign3A_94 : i32
      %sign3A_96 = arith.extui %sign3A_95 : i1 to i32
      %sign3A_97 = arith.constant 0 : i32
      %sign3A_98 = arith.cmpi slt, %jit3A_85, %sign3A_97 : i32
      %sign3A_99 = arith.extui %sign3A_98 : i1 to i32
      %sign3A_100 = arith.subi %sign3A_96, %sign3A_99 : i32
      %ne3A_101 = arith.cmpi ne, %sign3A_93, %sign3A_100 : i32
      %rem3A_102 = arith.remsi %add3A_49, %jit3A_85 : i32
      %ne3A_103 = arith.constant 0 : i32
      %ne3A_104 = arith.cmpi ne, %rem3A_102, %ne3A_103 : i32
      %and3A_105 = arith.andi %ne3A_101, %ne3A_104 : i1
      %sub3A_106 = arith.constant 1 : i32
      %sub3A_107 = arith.subi %div3A_86, %sub3A_106 : i32
      %select_n3A_108 = arith.select %and3A_105, %sub3A_107, %div3A_86 : i32
      "tpu.region"() ({
        %run_scoped3A = tpu.sem_alloc : memref<!tpu.dma_semaphore, #tpu.memory_space<semaphore_mem>>
        %dma_start3A_202 = arith.constant 8192 : i32
        %dma_start3A_203 = tpu.memref_slice %arg2[%select_n3A_108, %dma_start3A_202] : memref<26x16384xi32, #tpu.memory_space<hbm>> -> memref<1x8192xi32, #tpu.memory_space<hbm>>
        %dma_start3A_204 = tpu.memref_squeeze %dma_start3A_203 : memref<1x8192xi32, #tpu.memory_space<hbm>> -> memref<8192xi32, #tpu.memory_space<hbm>>
        %dma_start3A_205 = arith.constant 8192 : i32
        %dma_start3A_206 = tpu.memref_slice %arg2[%select_n3A_108, %dma_start3A_205] : memref<26x16384xi32, #tpu.memory_space<hbm>> -> memref<1x8192xi32, #tpu.memory_space<hbm>>
        %dma_start3A_207 = tpu.memref_squeeze %dma_start3A_206 : memref<1x8192xi32, #tpu.memory_space<hbm>> -> memref<8192xi32, #tpu.memory_space<hbm>>
        tpu.enqueue_dma source(%dma_start3A_207 : memref<8192xi32, #tpu.memory_space<hbm>>) target(%arg8 : memref<8192xi32, #tpu.memory_space<vmem>>) target_semaphore(%run_scoped3A : memref<!tpu.dma_semaphore, #tpu.memory_space<semaphore_mem>>)
        %dma_wait3A_208 = arith.constant 8192 : i32
        %dma_wait3A_209 = tpu.memref_slice %arg2[%select_n3A_108, %dma_wait3A_208] : memref<26x16384xi32, #tpu.memory_space<hbm>> -> memref<1x8192xi32, #tpu.memory_space<hbm>>
        %dma_wait3A_210 = tpu.memref_squeeze %dma_wait3A_209 : memref<1x8192xi32, #tpu.memory_space<hbm>> -> memref<8192xi32, #tpu.memory_space<hbm>>
        %dma_wait3A_211 = arith.constant 8192 : i32
        %dma_wait3A_212 = tpu.memref_slice %arg2[%select_n3A_108, %dma_wait3A_211] : memref<26x16384xi32, #tpu.memory_space<hbm>> -> memref<1x8192xi32, #tpu.memory_space<hbm>>
        %dma_wait3A_213 = tpu.memref_squeeze %dma_wait3A_212 : memref<1x8192xi32, #tpu.memory_space<hbm>> -> memref<8192xi32, #tpu.memory_space<hbm>>
        tpu.wait_dma2 semaphore(%run_scoped3A : memref<!tpu.dma_semaphore, #tpu.memory_space<semaphore_mem>>) src(%dma_wait3A_213 : memref<8192xi32, #tpu.memory_space<hbm>>) dst(%arg8 : memref<8192xi32, #tpu.memory_space<vmem>>)
        tpu.yield
      }) : () -> ()
      %broadcast_in_dim3A_109 = arith.constant 0 : i32
      %broadcast_in_dim3A_110 = vector.broadcast %broadcast_in_dim3A_109 : i32 to vector<16xi32>
      %scan3A_111 = arith.constant 0 : i32
      %scan3A_112 = arith.constant 0 : i32
      %scan3A_113 = arith.constant 64 : i32
      %scan3A_114 = arith.addi %scan3A_112, %scan3A_113 : i32
      %scan3A_115 = arith.constant 1 : i32
      scf.for %scan3A_202 = %scan3A_112 to %scan3A_114 step %scan3A_115  : i32 {
        %mul3A_203 = arith.constant 8 : i32
        %mul3A_204 = arith.muli %scan3A_202, %mul3A_203 : i32
        %add3A_205 = arith.constant 0 : i32
        %add3A_206 = arith.addi %mul3A_204, %add3A_205 : i32
        %mul3A_207 = arith.constant 16 : i32
        %mul3A_208 = arith.muli %add3A_206, %mul3A_207 : i32
        %get3A = arith.index_cast %mul3A_208 : i32 to index
        %get3A_209 = tpu.vector_load %arg8[%get3A] {strides = array<i32>} : memref<8192xi32, #tpu.memory_space<vmem>>, vector<16xi32>,
        %ge3A = arith.constant 0 : i32
        %ge3A_210 = vector.broadcast %ge3A : i32 to vector<16xi32>
        %ge3A_211 = arith.cmpi sge, %get3A_209, %ge3A_210 : vector<16xi32>
        %lt3A_212 = arith.constant 49920 : i32
        %lt3A_213 = vector.broadcast %lt3A_212 : i32 to vector<16xi32>
        %lt3A_214 = arith.cmpi slt, %get3A_209, %lt3A_213 : vector<16xi32>
        %and3A_215 = arith.andi %ge3A_211, %lt3A_214 : vector<16xi1>
        %sub3A_216 = arith.constant 0 : i32
        %sub3A_217 = vector.broadcast %sub3A_216 : i32 to vector<16xi32>
        %sub3A_218 = arith.subi %get3A_209, %sub3A_217 : vector<16xi32>
        %jit3A_219 = arith.constant 0 : i32
        %broadcast_in_dim3A_220 = vector.broadcast %jit3A_219 : i32 to vector<16xi32>
        %select_n3A_221 = arith.select %and3A_215, %sub3A_218, %broadcast_in_dim3A_220 : vector<16xi1>, vector<16xi32>
        %gather3A = tpu.vector_load_idx %arg6[%broadcast_in_dim3A_110, %select_n3A_221] : memref<1x50080xf32, #tpu.memory_space<vmem>>[vector<16xi32>, vector<16xi32>], vector<16xf32>,
        %get3A_222 = arith.index_cast %mul3A_208 : i32 to index
        %get3A_223 = tpu.vector_load %arg10[%get3A_222] {strides = array<i32>} : memref<8192xf32, #tpu.memory_space<vmem>>, vector<16xf32>,
        %select_n3A_224 = arith.select %and3A_215, %gather3A, %get3A_223 : vector<16xi1>, vector<16xf32>
        %swap3A = arith.index_cast %mul3A_208 : i32 to index
        %swap3A_225 = tpu.vector_load %arg10[%swap3A] {strides = array<i32>} : memref<8192xf32, #tpu.memory_space<vmem>>, vector<16xf32>,
        tpu.vector_store %arg10[%swap3A], %select_n3A_224 {strides = array<i32>} : memref<8192xf32, #tpu.memory_space<vmem>>, vector<16xf32>,
        %mul3A_226 = arith.constant 8 : i32
        %mul3A_227 = arith.muli %scan3A_202, %mul3A_226 : i32
        %add3A_228 = arith.constant 1 : i32
        %add3A_229 = arith.addi %mul3A_227, %add3A_228 : i32
        %mul3A_230 = arith.constant 16 : i32
        %mul3A_231 = arith.muli %add3A_229, %mul3A_230 : i32
        %get3A_232 = arith.index_cast %mul3A_231 : i32 to index
        %get3A_233 = tpu.vector_load %arg8[%get3A_232] {strides = array<i32>} : memref<8192xi32, #tpu.memory_space<vmem>>, vector<16xi32>,
        %ge3A_234 = arith.constant 0 : i32
        %ge3A_235 = vector.broadcast %ge3A_234 : i32 to vector<16xi32>
        %ge3A_236 = arith.cmpi sge, %get3A_233, %ge3A_235 : vector<16xi32>
        %lt3A_237 = arith.constant 49920 : i32
        %lt3A_238 = vector.broadcast %lt3A_237 : i32 to vector<16xi32>
        %lt3A_239 = arith.cmpi slt, %get3A_233, %lt3A_238 : vector<16xi32>
        %and3A_240 = arith.andi %ge3A_236, %lt3A_239 : vector<16xi1>
        %sub3A_241 = arith.constant 0 : i32
        %sub3A_242 = vector.broadcast %sub3A_241 : i32 to vector<16xi32>
        %sub3A_243 = arith.subi %get3A_233, %sub3A_242 : vector<16xi32>
        %jit3A_244 = arith.constant 0 : i32
        %broadcast_in_dim3A_245 = vector.broadcast %jit3A_244 : i32 to vector<16xi32>
        %select_n3A_246 = arith.select %and3A_240, %sub3A_243, %broadcast_in_dim3A_245 : vector<16xi1>, vector<16xi32>
        %gather3A_247 = tpu.vector_load_idx %arg6[%broadcast_in_dim3A_110, %select_n3A_246] : memref<1x50080xf32, #tpu.memory_space<vmem>>[vector<16xi32>, vector<16xi32>], vector<16xf32>,
        %get3A_248 = arith.index_cast %mul3A_231 : i32 to index
        %get3A_249 = tpu.vector_load %arg10[%get3A_248] {strides = array<i32>} : memref<8192xf32, #tpu.memory_space<vmem>>, vector<16xf32>,
        %select_n3A_250 = arith.select %and3A_240, %gather3A_247, %get3A_249 : vector<16xi1>, vector<16xf32>
        %swap3A_251 = arith.index_cast %mul3A_231 : i32 to index
        %swap3A_252 = tpu.vector_load %arg10[%swap3A_251] {strides = array<i32>} : memref<8192xf32, #tpu.memory_space<vmem>>, vector<16xf32>,
        tpu.vector_store %arg10[%swap3A_251], %select_n3A_250 {strides = array<i32>} : memref<8192xf32, #tpu.memory_space<vmem>>, vector<16xf32>,
        %mul3A_253 = arith.constant 8 : i32
        %mul3A_254 = arith.muli %scan3A_202, %mul3A_253 : i32
        %add3A_255 = arith.constant 2 : i32
        %add3A_256 = arith.addi %mul3A_254, %add3A_255 : i32
        %mul3A_257 = arith.constant 16 : i32
        %mul3A_258 = arith.muli %add3A_256, %mul3A_257 : i32
        %get3A_259 = arith.index_cast %mul3A_258 : i32 to index
        %get3A_260 = tpu.vector_load %arg8[%get3A_259] {strides = array<i32>} : memref<8192xi32, #tpu.memory_space<vmem>>, vector<16xi32>,
        %ge3A_261 = arith.constant 0 : i32
        %ge3A_262 = vector.broadcast %ge3A_261 : i32 to vector<16xi32>
        %ge3A_263 = arith.cmpi sge, %get3A_260, %ge3A_262 : vector<16xi32>
        %lt3A_264 = arith.constant 49920 : i32
        %lt3A_265 = vector.broadcast %lt3A_264 : i32 to vector<16xi32>
        %lt3A_266 = arith.cmpi slt, %get3A_260, %lt3A_265 : vector<16xi32>
        %and3A_267 = arith.andi %ge3A_263, %lt3A_266 : vector<16xi1>
        %sub3A_268 = arith.constant 0 : i32
        %sub3A_269 = vector.broadcast %sub3A_268 : i32 to vector<16xi32>
        %sub3A_270 = arith.subi %get3A_260, %sub3A_269 : vector<16xi32>
        %jit3A_271 = arith.constant 0 : i32
        %broadcast_in_dim3A_272 = vector.broadcast %jit3A_271 : i32 to vector<16xi32>
        %select_n3A_273 = arith.select %and3A_267, %sub3A_270, %broadcast_in_dim3A_272 : vector<16xi1>, vector<16xi32>
        %gather3A_274 = tpu.vector_load_idx %arg6[%broadcast_in_dim3A_110, %select_n3A_273] : memref<1x50080xf32, #tpu.memory_space<vmem>>[vector<16xi32>, vector<16xi32>], vector<16xf32>,
        %get3A_275 = arith.index_cast %mul3A_258 : i32 to index
        %get3A_276 = tpu.vector_load %arg10[%get3A_275] {strides = array<i32>} : memref<8192xf32, #tpu.memory_space<vmem>>, vector<16xf32>,
        %select_n3A_277 = arith.select %and3A_267, %gather3A_274, %get3A_276 : vector<16xi1>, vector<16xf32>
        %swap3A_278 = arith.index_cast %mul3A_258 : i32 to index
        %swap3A_279 = tpu.vector_load %arg10[%swap3A_278] {strides = array<i32>} : memref<8192xf32, #tpu.memory_space<vmem>>, vector<16xf32>,
        tpu.vector_store %arg10[%swap3A_278], %select_n3A_277 {strides = array<i32>} : memref<8192xf32, #tpu.memory_space<vmem>>, vector<16xf32>,
        %mul3A_280 = arith.constant 8 : i32
        %mul3A_281 = arith.muli %scan3A_202, %mul3A_280 : i32
        %add3A_282 = arith.constant 3 : i32
        %add3A_283 = arith.addi %mul3A_281, %add3A_282 : i32
        %mul3A_284 = arith.constant 16 : i32
        %mul3A_285 = arith.muli %add3A_283, %mul3A_284 : i32
        %get3A_286 = arith.index_cast %mul3A_285 : i32 to index
        %get3A_287 = tpu.vector_load %arg8[%get3A_286] {strides = array<i32>} : memref<8192xi32, #tpu.memory_space<vmem>>, vector<16xi32>,
        %ge3A_288 = arith.constant 0 : i32
        %ge3A_289 = vector.broadcast %ge3A_288 : i32 to vector<16xi32>
        %ge3A_290 = arith.cmpi sge, %get3A_287, %ge3A_289 : vector<16xi32>
        %lt3A_291 = arith.constant 49920 : i32
        %lt3A_292 = vector.broadcast %lt3A_291 : i32 to vector<16xi32>
        %lt3A_293 = arith.cmpi slt, %get3A_287, %lt3A_292 : vector<16xi32>
        %and3A_294 = arith.andi %ge3A_290, %lt3A_293 : vector<16xi1>
        %sub3A_295 = arith.constant 0 : i32
        %sub3A_296 = vector.broadcast %sub3A_295 : i32 to vector<16xi32>
        %sub3A_297 = arith.subi %get3A_287, %sub3A_296 : vector<16xi32>
        %jit3A_298 = arith.constant 0 : i32
        %broadcast_in_dim3A_299 = vector.broadcast %jit3A_298 : i32 to vector<16xi32>
        %select_n3A_300 = arith.select %and3A_294, %sub3A_297, %broadcast_in_dim3A_299 : vector<16xi1>, vector<16xi32>
        %gather3A_301 = tpu.vector_load_idx %arg6[%broadcast_in_dim3A_110, %select_n3A_300] : memref<1x50080xf32, #tpu.memory_space<vmem>>[vector<16xi32>, vector<16xi32>], vector<16xf32>,
        %get3A_302 = arith.index_cast %mul3A_285 : i32 to index
        %get3A_303 = tpu.vector_load %arg10[%get3A_302] {strides = array<i32>} : memref<8192xf32, #tpu.memory_space<vmem>>, vector<16xf32>,
        %select_n3A_304 = arith.select %and3A_294, %gather3A_301, %get3A_303 : vector<16xi1>, vector<16xf32>
        %swap3A_305 = arith.index_cast %mul3A_285 : i32 to index
        %swap3A_306 = tpu.vector_load %arg10[%swap3A_305] {strides = array<i32>} : memref<8192xf32, #tpu.memory_space<vmem>>, vector<16xf32>,
        tpu.vector_store %arg10[%swap3A_305], %select_n3A_304 {strides = array<i32>} : memref<8192xf32, #tpu.memory_space<vmem>>, vector<16xf32>,
        %mul3A_307 = arith.constant 8 : i32
        %mul3A_308 = arith.muli %scan3A_202, %mul3A_307 : i32
        %add3A_309 = arith.constant 4 : i32
        %add3A_310 = arith.addi %mul3A_308, %add3A_309 : i32
        %mul3A_311 = arith.constant 16 : i32
        %mul3A_312 = arith.muli %add3A_310, %mul3A_311 : i32
        %get3A_313 = arith.index_cast %mul3A_312 : i32 to index
        %get3A_314 = tpu.vector_load %arg8[%get3A_313] {strides = array<i32>} : memref<8192xi32, #tpu.memory_space<vmem>>, vector<16xi32>,
        %ge3A_315 = arith.constant 0 : i32
        %ge3A_316 = vector.broadcast %ge3A_315 : i32 to vector<16xi32>
        %ge3A_317 = arith.cmpi sge, %get3A_314, %ge3A_316 : vector<16xi32>
        %lt3A_318 = arith.constant 49920 : i32
        %lt3A_319 = vector.broadcast %lt3A_318 : i32 to vector<16xi32>
        %lt3A_320 = arith.cmpi slt, %get3A_314, %lt3A_319 : vector<16xi32>
        %and3A_321 = arith.andi %ge3A_317, %lt3A_320 : vector<16xi1>
        %sub3A_322 = arith.constant 0 : i32
        %sub3A_323 = vector.broadcast %sub3A_322 : i32 to vector<16xi32>
        %sub3A_324 = arith.subi %get3A_314, %sub3A_323 : vector<16xi32>
        %jit3A_325 = arith.constant 0 : i32
        %broadcast_in_dim3A_326 = vector.broadcast %jit3A_325 : i32 to vector<16xi32>
        %select_n3A_327 = arith.select %and3A_321, %sub3A_324, %broadcast_in_dim3A_326 : vector<16xi1>, vector<16xi32>
        %gather3A_328 = tpu.vector_load_idx %arg6[%broadcast_in_dim3A_110, %select_n3A_327] : memref<1x50080xf32, #tpu.memory_space<vmem>>[vector<16xi32>, vector<16xi32>], vector<16xf32>,
        %get3A_329 = arith.index_cast %mul3A_312 : i32 to index
        %get3A_330 = tpu.vector_load %arg10[%get3A_329] {strides = array<i32>} : memref<8192xf32, #tpu.memory_space<vmem>>, vector<16xf32>,
        %select_n3A_331 = arith.select %and3A_321, %gather3A_328, %get3A_330 : vector<16xi1>, vector<16xf32>
        %swap3A_332 = arith.index_cast %mul3A_312 : i32 to index
        %swap3A_333 = tpu.vector_load %arg10[%swap3A_332] {strides = array<i32>} : memref<8192xf32, #tpu.memory_space<vmem>>, vector<16xf32>,
        tpu.vector_store %arg10[%swap3A_332], %select_n3A_331 {strides = array<i32>} : memref<8192xf32, #tpu.memory_space<vmem>>, vector<16xf32>,
        %mul3A_334 = arith.constant 8 : i32
        %mul3A_335 = arith.muli %scan3A_202, %mul3A_334 : i32
        %add3A_336 = arith.constant 5 : i32
        %add3A_337 = arith.addi %mul3A_335, %add3A_336 : i32
        %mul3A_338 = arith.constant 16 : i32
        %mul3A_339 = arith.muli %add3A_337, %mul3A_338 : i32
        %get3A_340 = arith.index_cast %mul3A_339 : i32 to index
        %get3A_341 = tpu.vector_load %arg8[%get3A_340] {strides = array<i32>} : memref<8192xi32, #tpu.memory_space<vmem>>, vector<16xi32>,
        %ge3A_342 = arith.constant 0 : i32
        %ge3A_343 = vector.broadcast %ge3A_342 : i32 to vector<16xi32>
        %ge3A_344 = arith.cmpi sge, %get3A_341, %ge3A_343 : vector<16xi32>
        %lt3A_345 = arith.constant 49920 : i32
        %lt3A_346 = vector.broadcast %lt3A_345 : i32 to vector<16xi32>
        %lt3A_347 = arith.cmpi slt, %get3A_341, %lt3A_346 : vector<16xi32>
        %and3A_348 = arith.andi %ge3A_344, %lt3A_347 : vector<16xi1>
        %sub3A_349 = arith.constant 0 : i32
        %sub3A_350 = vector.broadcast %sub3A_349 : i32 to vector<16xi32>
        %sub3A_351 = arith.subi %get3A_341, %sub3A_350 : vector<16xi32>
        %jit3A_352 = arith.constant 0 : i32
        %broadcast_in_dim3A_353 = vector.broadcast %jit3A_352 : i32 to vector<16xi32>
        %select_n3A_354 = arith.select %and3A_348, %sub3A_351, %broadcast_in_dim3A_353 : vector<16xi1>, vector<16xi32>
        %gather3A_355 = tpu.vector_load_idx %arg6[%broadcast_in_dim3A_110, %select_n3A_354] : memref<1x50080xf32, #tpu.memory_space<vmem>>[vector<16xi32>, vector<16xi32>], vector<16xf32>,
        %get3A_356 = arith.index_cast %mul3A_339 : i32 to index
        %get3A_357 = tpu.vector_load %arg10[%get3A_356] {strides = array<i32>} : memref<8192xf32, #tpu.memory_space<vmem>>, vector<16xf32>,
        %select_n3A_358 = arith.select %and3A_348, %gather3A_355, %get3A_357 : vector<16xi1>, vector<16xf32>
        %swap3A_359 = arith.index_cast %mul3A_339 : i32 to index
        %swap3A_360 = tpu.vector_load %arg10[%swap3A_359] {strides = array<i32>} : memref<8192xf32, #tpu.memory_space<vmem>>, vector<16xf32>,
        tpu.vector_store %arg10[%swap3A_359], %select_n3A_358 {strides = array<i32>} : memref<8192xf32, #tpu.memory_space<vmem>>, vector<16xf32>,
        %mul3A_361 = arith.constant 8 : i32
        %mul3A_362 = arith.muli %scan3A_202, %mul3A_361 : i32
        %add3A_363 = arith.constant 6 : i32
        %add3A_364 = arith.addi %mul3A_362, %add3A_363 : i32
        %mul3A_365 = arith.constant 16 : i32
        %mul3A_366 = arith.muli %add3A_364, %mul3A_365 : i32
        %get3A_367 = arith.index_cast %mul3A_366 : i32 to index
        %get3A_368 = tpu.vector_load %arg8[%get3A_367] {strides = array<i32>} : memref<8192xi32, #tpu.memory_space<vmem>>, vector<16xi32>,
        %ge3A_369 = arith.constant 0 : i32
        %ge3A_370 = vector.broadcast %ge3A_369 : i32 to vector<16xi32>
        %ge3A_371 = arith.cmpi sge, %get3A_368, %ge3A_370 : vector<16xi32>
        %lt3A_372 = arith.constant 49920 : i32
        %lt3A_373 = vector.broadcast %lt3A_372 : i32 to vector<16xi32>
        %lt3A_374 = arith.cmpi slt, %get3A_368, %lt3A_373 : vector<16xi32>
        %and3A_375 = arith.andi %ge3A_371, %lt3A_374 : vector<16xi1>
        %sub3A_376 = arith.constant 0 : i32
        %sub3A_377 = vector.broadcast %sub3A_376 : i32 to vector<16xi32>
        %sub3A_378 = arith.subi %get3A_368, %sub3A_377 : vector<16xi32>
        %jit3A_379 = arith.constant 0 : i32
        %broadcast_in_dim3A_380 = vector.broadcast %jit3A_379 : i32 to vector<16xi32>
        %select_n3A_381 = arith.select %and3A_375, %sub3A_378, %broadcast_in_dim3A_380 : vector<16xi1>, vector<16xi32>
        %gather3A_382 = tpu.vector_load_idx %arg6[%broadcast_in_dim3A_110, %select_n3A_381] : memref<1x50080xf32, #tpu.memory_space<vmem>>[vector<16xi32>, vector<16xi32>], vector<16xf32>,
        %get3A_383 = arith.index_cast %mul3A_366 : i32 to index
        %get3A_384 = tpu.vector_load %arg10[%get3A_383] {strides = array<i32>} : memref<8192xf32, #tpu.memory_space<vmem>>, vector<16xf32>,
        %select_n3A_385 = arith.select %and3A_375, %gather3A_382, %get3A_384 : vector<16xi1>, vector<16xf32>
        %swap3A_386 = arith.index_cast %mul3A_366 : i32 to index
        %swap3A_387 = tpu.vector_load %arg10[%swap3A_386] {strides = array<i32>} : memref<8192xf32, #tpu.memory_space<vmem>>, vector<16xf32>,
        tpu.vector_store %arg10[%swap3A_386], %select_n3A_385 {strides = array<i32>} : memref<8192xf32, #tpu.memory_space<vmem>>, vector<16xf32>,
        %mul3A_388 = arith.constant 8 : i32
        %mul3A_389 = arith.muli %scan3A_202, %mul3A_388 : i32
        %add3A_390 = arith.constant 7 : i32
        %add3A_391 = arith.addi %mul3A_389, %add3A_390 : i32
        %mul3A_392 = arith.constant 16 : i32
        %mul3A_393 = arith.muli %add3A_391, %mul3A_392 : i32
        %get3A_394 = arith.index_cast %mul3A_393 : i32 to index
        %get3A_395 = tpu.vector_load %arg8[%get3A_394] {strides = array<i32>} : memref<8192xi32, #tpu.memory_space<vmem>>, vector<16xi32>,
        %ge3A_396 = arith.constant 0 : i32
        %ge3A_397 = vector.broadcast %ge3A_396 : i32 to vector<16xi32>
        %ge3A_398 = arith.cmpi sge, %get3A_395, %ge3A_397 : vector<16xi32>
        %lt3A_399 = arith.constant 49920 : i32
        %lt3A_400 = vector.broadcast %lt3A_399 : i32 to vector<16xi32>
        %lt3A_401 = arith.cmpi slt, %get3A_395, %lt3A_400 : vector<16xi32>
        %and3A_402 = arith.andi %ge3A_398, %lt3A_401 : vector<16xi1>
        %sub3A_403 = arith.constant 0 : i32
        %sub3A_404 = vector.broadcast %sub3A_403 : i32 to vector<16xi32>
        %sub3A_405 = arith.subi %get3A_395, %sub3A_404 : vector<16xi32>
        %jit3A_406 = arith.constant 0 : i32
        %broadcast_in_dim3A_407 = vector.broadcast %jit3A_406 : i32 to vector<16xi32>
        %select_n3A_408 = arith.select %and3A_402, %sub3A_405, %broadcast_in_dim3A_407 : vector<16xi1>, vector<16xi32>
        %gather3A_409 = tpu.vector_load_idx %arg6[%broadcast_in_dim3A_110, %select_n3A_408] : memref<1x50080xf32, #tpu.memory_space<vmem>>[vector<16xi32>, vector<16xi32>], vector<16xf32>,
        %get3A_410 = arith.index_cast %mul3A_393 : i32 to index
        %get3A_411 = tpu.vector_load %arg10[%get3A_410] {strides = array<i32>} : memref<8192xf32, #tpu.memory_space<vmem>>, vector<16xf32>,
        %select_n3A_412 = arith.select %and3A_402, %gather3A_409, %get3A_411 : vector<16xi1>, vector<16xf32>
        %swap3A_413 = arith.index_cast %mul3A_393 : i32 to index
        %swap3A_414 = tpu.vector_load %arg10[%swap3A_413] {strides = array<i32>} : memref<8192xf32, #tpu.memory_space<vmem>>, vector<16xf32>,
        tpu.vector_store %arg10[%swap3A_413], %select_n3A_412 {strides = array<i32>} : memref<8192xf32, #tpu.memory_space<vmem>>, vector<16xf32>,
      }
      %scan3A_116 = arith.constant 64 : i32
      %add3A_117 = arith.constant 1 : i32
      %add3A_118 = arith.addi %scan3A_48, %add3A_117 : i32
      %lt3A = arith.constant 26 : i32
      %lt3A_119 = arith.cmpi slt, %add3A_118, %lt3A : i32
      %convert_element_type3A_120 = arith.extui %lt3A_119 : i1 to i32
      %cond3A_121 = arith.constant 0 : i32
      %cond3A_122 = arith.cmpi ne, %convert_element_type3A_120, %cond3A_121 : i32
      scf.if %cond3A_122 {
        %add3A_202 = arith.constant 1 : i32
        %add3A_203 = arith.addi %add3A_49, %add3A_202 : i32
        %dma_start3A_204 = arith.constant 0 : i32
        %dma_start3A_205 = arith.constant 0 : i32
        %dma_start3A_206 = tpu.memref_slice %arg6[%dma_start3A_204, %dma_start3A_205] : memref<1x50080xf32, #tpu.memory_space<vmem>> -> memref<1x49920xf32, #tpu.memory_space<vmem>>
        %dma_start3A_207 = arith.constant 0 : i32
        %dma_start3A_208 = tpu.memref_slice %arg3[%add3A_203, %dma_start3A_207] : memref<832x100000xf32, #tpu.memory_space<hbm>> -> memref<1x49920xf32, #tpu.memory_space<hbm>>
        %dma_start3A_209 = arith.constant 0 : i32
        %dma_start3A_210 = arith.constant 0 : i32
        %dma_start3A_211 = tpu.memref_slice %arg6[%dma_start3A_209, %dma_start3A_210] : memref<1x50080xf32, #tpu.memory_space<vmem>> -> memref<1x49920xf32, #tpu.memory_space<vmem>>
        %dma_start3A_212 = arith.constant 0 : i32
        %dma_start3A_213 = tpu.memref_slice %arg3[%add3A_203, %dma_start3A_212] : memref<832x100000xf32, #tpu.memory_space<hbm>> -> memref<1x49920xf32, #tpu.memory_space<hbm>>
        tpu.enqueue_dma source(%dma_start3A_213 : memref<1x49920xf32, #tpu.memory_space<hbm>>) target(%dma_start3A_211 : memref<1x49920xf32, #tpu.memory_space<vmem>>) target_semaphore(%arg11 : memref<!tpu.dma_semaphore, #tpu.memory_space<semaphore_mem>>)
      } else {
      }
      %dma_wait3A_123 = arith.constant 0 : i32
      %dma_wait3A_124 = arith.constant 0 : i32
      %dma_wait3A_125 = tpu.memref_slice %arg7[%dma_wait3A_123, %dma_wait3A_124] : memref<1x50080xf32, #tpu.memory_space<vmem>> -> memref<1x49920xf32, #tpu.memory_space<vmem>>
      %dma_wait3A_126 = arith.constant 49920 : i32
      %dma_wait3A_127 = tpu.memref_slice %arg3[%add3A_49, %dma_wait3A_126] : memref<832x100000xf32, #tpu.memory_space<hbm>> -> memref<1x49920xf32, #tpu.memory_space<hbm>>
      %dma_wait3A_128 = arith.constant 0 : i32
      %dma_wait3A_129 = arith.constant 0 : i32
      %dma_wait3A_130 = tpu.memref_slice %arg7[%dma_wait3A_128, %dma_wait3A_129] : memref<1x50080xf32, #tpu.memory_space<vmem>> -> memref<1x49920xf32, #tpu.memory_space<vmem>>
      %dma_wait3A_131 = arith.constant 49920 : i32
      %dma_wait3A_132 = tpu.memref_slice %arg3[%add3A_49, %dma_wait3A_131] : memref<832x100000xf32, #tpu.memory_space<hbm>> -> memref<1x49920xf32, #tpu.memory_space<hbm>>
      tpu.wait_dma2 semaphore(%arg12 : memref<!tpu.dma_semaphore, #tpu.memory_space<semaphore_mem>>) src(%dma_wait3A_132 : memref<1x49920xf32, #tpu.memory_space<hbm>>) dst(%dma_wait3A_130 : memref<1x49920xf32, #tpu.memory_space<vmem>>)
      %dma_wait3A_133 = arith.constant 0 : i32
      %dma_wait3A_134 = arith.constant 49920 : i32
      %dma_wait3A_135 = tpu.memref_slice %arg7[%dma_wait3A_133, %dma_wait3A_134] : memref<1x50080xf32, #tpu.memory_space<vmem>> -> memref<1x160xf32, #tpu.memory_space<vmem>>
      %dma_wait3A_136 = arith.constant 0 : i32
      %dma_wait3A_137 = tpu.memref_slice %arg4[%add3A_49, %dma_wait3A_136] : memref<832x160xf32, #tpu.memory_space<hbm>> -> memref<1x160xf32, #tpu.memory_space<hbm>>
      %dma_wait3A_138 = arith.constant 0 : i32
      %dma_wait3A_139 = arith.constant 49920 : i32
      %dma_wait3A_140 = tpu.memref_slice %arg7[%dma_wait3A_138, %dma_wait3A_139] : memref<1x50080xf32, #tpu.memory_space<vmem>> -> memref<1x160xf32, #tpu.memory_space<vmem>>
      %dma_wait3A_141 = arith.constant 0 : i32
      %dma_wait3A_142 = tpu.memref_slice %arg4[%add3A_49, %dma_wait3A_141] : memref<832x160xf32, #tpu.memory_space<hbm>> -> memref<1x160xf32, #tpu.memory_space<hbm>>
      tpu.wait_dma2 semaphore(%arg12 : memref<!tpu.dma_semaphore, #tpu.memory_space<semaphore_mem>>) src(%dma_wait3A_142 : memref<1x160xf32, #tpu.memory_space<hbm>>) dst(%dma_wait3A_140 : memref<1x160xf32, #tpu.memory_space<vmem>>)
      %broadcast_in_dim3A_143 = arith.constant 0 : i32
      %broadcast_in_dim3A_144 = vector.broadcast %broadcast_in_dim3A_143 : i32 to vector<16xi32>
      %scan3A_145 = arith.constant 0 : i32
      %scan3A_146 = arith.constant 0 : i32
      %scan3A_147 = arith.constant 64 : i32
      %scan3A_148 = arith.addi %scan3A_146, %scan3A_147 : i32
      %scan3A_149 = arith.constant 1 : i32
      scf.for %scan3A_202 = %scan3A_146 to %scan3A_148 step %scan3A_149  : i32 {
        %mul3A_203 = arith.constant 8 : i32
        %mul3A_204 = arith.muli %scan3A_202, %mul3A_203 : i32
        %add3A_205 = arith.constant 0 : i32
        %add3A_206 = arith.addi %mul3A_204, %add3A_205 : i32
        %mul3A_207 = arith.constant 16 : i32
        %mul3A_208 = arith.muli %add3A_206, %mul3A_207 : i32
        %get3A = arith.index_cast %mul3A_208 : i32 to index
        %get3A_209 = tpu.vector_load %arg8[%get3A] {strides = array<i32>} : memref<8192xi32, #tpu.memory_space<vmem>>, vector<16xi32>,
        %ge3A = arith.constant 49920 : i32
        %ge3A_210 = vector.broadcast %ge3A : i32 to vector<16xi32>
        %ge3A_211 = arith.cmpi sge, %get3A_209, %ge3A_210 : vector<16xi32>
        %lt3A_212 = arith.constant 100000 : i32
        %lt3A_213 = vector.broadcast %lt3A_212 : i32 to vector<16xi32>
        %lt3A_214 = arith.cmpi slt, %get3A_209, %lt3A_213 : vector<16xi32>
        %and3A_215 = arith.andi %ge3A_211, %lt3A_214 : vector<16xi1>
        %sub3A_216 = arith.constant 49920 : i32
        %sub3A_217 = vector.broadcast %sub3A_216 : i32 to vector<16xi32>
        %sub3A_218 = arith.subi %get3A_209, %sub3A_217 : vector<16xi32>
        %jit3A_219 = arith.constant 0 : i32
        %broadcast_in_dim3A_220 = vector.broadcast %jit3A_219 : i32 to vector<16xi32>
        %select_n3A_221 = arith.select %and3A_215, %sub3A_218, %broadcast_in_dim3A_220 : vector<16xi1>, vector<16xi32>
        %gather3A = tpu.vector_load_idx %arg7[%broadcast_in_dim3A_144, %select_n3A_221] : memref<1x50080xf32, #tpu.memory_space<vmem>>[vector<16xi32>, vector<16xi32>], vector<16xf32>,
        %get3A_222 = arith.index_cast %mul3A_208 : i32 to index
        %get3A_223 = tpu.vector_load %arg10[%get3A_222] {strides = array<i32>} : memref<8192xf32, #tpu.memory_space<vmem>>, vector<16xf32>,
        %select_n3A_224 = arith.select %and3A_215, %gather3A, %get3A_223 : vector<16xi1>, vector<16xf32>
        %swap3A = arith.index_cast %mul3A_208 : i32 to index
        %swap3A_225 = tpu.vector_load %arg10[%swap3A] {strides = array<i32>} : memref<8192xf32, #tpu.memory_space<vmem>>, vector<16xf32>,
        tpu.vector_store %arg10[%swap3A], %select_n3A_224 {strides = array<i32>} : memref<8192xf32, #tpu.memory_space<vmem>>, vector<16xf32>,
        %mul3A_226 = arith.constant 8 : i32
        %mul3A_227 = arith.muli %scan3A_202, %mul3A_226 : i32
        %add3A_228 = arith.constant 1 : i32
        %add3A_229 = arith.addi %mul3A_227, %add3A_228 : i32
        %mul3A_230 = arith.constant 16 : i32
        %mul3A_231 = arith.muli %add3A_229, %mul3A_230 : i32
        %get3A_232 = arith.index_cast %mul3A_231 : i32 to index
        %get3A_233 = tpu.vector_load %arg8[%get3A_232] {strides = array<i32>} : memref<8192xi32, #tpu.memory_space<vmem>>, vector<16xi32>,
        %ge3A_234 = arith.constant 49920 : i32
        %ge3A_235 = vector.broadcast %ge3A_234 : i32 to vector<16xi32>
        %ge3A_236 = arith.cmpi sge, %get3A_233, %ge3A_235 : vector<16xi32>
        %lt3A_237 = arith.constant 100000 : i32
        %lt3A_238 = vector.broadcast %lt3A_237 : i32 to vector<16xi32>
        %lt3A_239 = arith.cmpi slt, %get3A_233, %lt3A_238 : vector<16xi32>
        %and3A_240 = arith.andi %ge3A_236, %lt3A_239 : vector<16xi1>
        %sub3A_241 = arith.constant 49920 : i32
        %sub3A_242 = vector.broadcast %sub3A_241 : i32 to vector<16xi32>
        %sub3A_243 = arith.subi %get3A_233, %sub3A_242 : vector<16xi32>
        %jit3A_244 = arith.constant 0 : i32
        %broadcast_in_dim3A_245 = vector.broadcast %jit3A_244 : i32 to vector<16xi32>
        %select_n3A_246 = arith.select %and3A_240, %sub3A_243, %broadcast_in_dim3A_245 : vector<16xi1>, vector<16xi32>
        %gather3A_247 = tpu.vector_load_idx %arg7[%broadcast_in_dim3A_144, %select_n3A_246] : memref<1x50080xf32, #tpu.memory_space<vmem>>[vector<16xi32>, vector<16xi32>], vector<16xf32>,
        %get3A_248 = arith.index_cast %mul3A_231 : i32 to index
        %get3A_249 = tpu.vector_load %arg10[%get3A_248] {strides = array<i32>} : memref<8192xf32, #tpu.memory_space<vmem>>, vector<16xf32>,
        %select_n3A_250 = arith.select %and3A_240, %gather3A_247, %get3A_249 : vector<16xi1>, vector<16xf32>
        %swap3A_251 = arith.index_cast %mul3A_231 : i32 to index
        %swap3A_252 = tpu.vector_load %arg10[%swap3A_251] {strides = array<i32>} : memref<8192xf32, #tpu.memory_space<vmem>>, vector<16xf32>,
        tpu.vector_store %arg10[%swap3A_251], %select_n3A_250 {strides = array<i32>} : memref<8192xf32, #tpu.memory_space<vmem>>, vector<16xf32>,
        %mul3A_253 = arith.constant 8 : i32
        %mul3A_254 = arith.muli %scan3A_202, %mul3A_253 : i32
        %add3A_255 = arith.constant 2 : i32
        %add3A_256 = arith.addi %mul3A_254, %add3A_255 : i32
        %mul3A_257 = arith.constant 16 : i32
        %mul3A_258 = arith.muli %add3A_256, %mul3A_257 : i32
        %get3A_259 = arith.index_cast %mul3A_258 : i32 to index
        %get3A_260 = tpu.vector_load %arg8[%get3A_259] {strides = array<i32>} : memref<8192xi32, #tpu.memory_space<vmem>>, vector<16xi32>,
        %ge3A_261 = arith.constant 49920 : i32
        %ge3A_262 = vector.broadcast %ge3A_261 : i32 to vector<16xi32>
        %ge3A_263 = arith.cmpi sge, %get3A_260, %ge3A_262 : vector<16xi32>
        %lt3A_264 = arith.constant 100000 : i32
        %lt3A_265 = vector.broadcast %lt3A_264 : i32 to vector<16xi32>
        %lt3A_266 = arith.cmpi slt, %get3A_260, %lt3A_265 : vector<16xi32>
        %and3A_267 = arith.andi %ge3A_263, %lt3A_266 : vector<16xi1>
        %sub3A_268 = arith.constant 49920 : i32
        %sub3A_269 = vector.broadcast %sub3A_268 : i32 to vector<16xi32>
        %sub3A_270 = arith.subi %get3A_260, %sub3A_269 : vector<16xi32>
        %jit3A_271 = arith.constant 0 : i32
        %broadcast_in_dim3A_272 = vector.broadcast %jit3A_271 : i32 to vector<16xi32>
        %select_n3A_273 = arith.select %and3A_267, %sub3A_270, %broadcast_in_dim3A_272 : vector<16xi1>, vector<16xi32>
        %gather3A_274 = tpu.vector_load_idx %arg7[%broadcast_in_dim3A_144, %select_n3A_273] : memref<1x50080xf32, #tpu.memory_space<vmem>>[vector<16xi32>, vector<16xi32>], vector<16xf32>,
        %get3A_275 = arith.index_cast %mul3A_258 : i32 to index
        %get3A_276 = tpu.vector_load %arg10[%get3A_275] {strides = array<i32>} : memref<8192xf32, #tpu.memory_space<vmem>>, vector<16xf32>,
        %select_n3A_277 = arith.select %and3A_267, %gather3A_274, %get3A_276 : vector<16xi1>, vector<16xf32>
        %swap3A_278 = arith.index_cast %mul3A_258 : i32 to index
        %swap3A_279 = tpu.vector_load %arg10[%swap3A_278] {strides = array<i32>} : memref<8192xf32, #tpu.memory_space<vmem>>, vector<16xf32>,
        tpu.vector_store %arg10[%swap3A_278], %select_n3A_277 {strides = array<i32>} : memref<8192xf32, #tpu.memory_space<vmem>>, vector<16xf32>,
        %mul3A_280 = arith.constant 8 : i32
        %mul3A_281 = arith.muli %scan3A_202, %mul3A_280 : i32
        %add3A_282 = arith.constant 3 : i32
        %add3A_283 = arith.addi %mul3A_281, %add3A_282 : i32
        %mul3A_284 = arith.constant 16 : i32
        %mul3A_285 = arith.muli %add3A_283, %mul3A_284 : i32
        %get3A_286 = arith.index_cast %mul3A_285 : i32 to index
        %get3A_287 = tpu.vector_load %arg8[%get3A_286] {strides = array<i32>} : memref<8192xi32, #tpu.memory_space<vmem>>, vector<16xi32>,
        %ge3A_288 = arith.constant 49920 : i32
        %ge3A_289 = vector.broadcast %ge3A_288 : i32 to vector<16xi32>
        %ge3A_290 = arith.cmpi sge, %get3A_287, %ge3A_289 : vector<16xi32>
        %lt3A_291 = arith.constant 100000 : i32
        %lt3A_292 = vector.broadcast %lt3A_291 : i32 to vector<16xi32>
        %lt3A_293 = arith.cmpi slt, %get3A_287, %lt3A_292 : vector<16xi32>
        %and3A_294 = arith.andi %ge3A_290, %lt3A_293 : vector<16xi1>
        %sub3A_295 = arith.constant 49920 : i32
        %sub3A_296 = vector.broadcast %sub3A_295 : i32 to vector<16xi32>
        %sub3A_297 = arith.subi %get3A_287, %sub3A_296 : vector<16xi32>
        %jit3A_298 = arith.constant 0 : i32
        %broadcast_in_dim3A_299 = vector.broadcast %jit3A_298 : i32 to vector<16xi32>
        %select_n3A_300 = arith.select %and3A_294, %sub3A_297, %broadcast_in_dim3A_299 : vector<16xi1>, vector<16xi32>
        %gather3A_301 = tpu.vector_load_idx %arg7[%broadcast_in_dim3A_144, %select_n3A_300] : memref<1x50080xf32, #tpu.memory_space<vmem>>[vector<16xi32>, vector<16xi32>], vector<16xf32>,
        %get3A_302 = arith.index_cast %mul3A_285 : i32 to index
        %get3A_303 = tpu.vector_load %arg10[%get3A_302] {strides = array<i32>} : memref<8192xf32, #tpu.memory_space<vmem>>, vector<16xf32>,
        %select_n3A_304 = arith.select %and3A_294, %gather3A_301, %get3A_303 : vector<16xi1>, vector<16xf32>
        %swap3A_305 = arith.index_cast %mul3A_285 : i32 to index
        %swap3A_306 = tpu.vector_load %arg10[%swap3A_305] {strides = array<i32>} : memref<8192xf32, #tpu.memory_space<vmem>>, vector<16xf32>,
        tpu.vector_store %arg10[%swap3A_305], %select_n3A_304 {strides = array<i32>} : memref<8192xf32, #tpu.memory_space<vmem>>, vector<16xf32>,
        %mul3A_307 = arith.constant 8 : i32
        %mul3A_308 = arith.muli %scan3A_202, %mul3A_307 : i32
        %add3A_309 = arith.constant 4 : i32
        %add3A_310 = arith.addi %mul3A_308, %add3A_309 : i32
        %mul3A_311 = arith.constant 16 : i32
        %mul3A_312 = arith.muli %add3A_310, %mul3A_311 : i32
        %get3A_313 = arith.index_cast %mul3A_312 : i32 to index
        %get3A_314 = tpu.vector_load %arg8[%get3A_313] {strides = array<i32>} : memref<8192xi32, #tpu.memory_space<vmem>>, vector<16xi32>,
        %ge3A_315 = arith.constant 49920 : i32
        %ge3A_316 = vector.broadcast %ge3A_315 : i32 to vector<16xi32>
        %ge3A_317 = arith.cmpi sge, %get3A_314, %ge3A_316 : vector<16xi32>
        %lt3A_318 = arith.constant 100000 : i32
        %lt3A_319 = vector.broadcast %lt3A_318 : i32 to vector<16xi32>
        %lt3A_320 = arith.cmpi slt, %get3A_314, %lt3A_319 : vector<16xi32>
        %and3A_321 = arith.andi %ge3A_317, %lt3A_320 : vector<16xi1>
        %sub3A_322 = arith.constant 49920 : i32
        %sub3A_323 = vector.broadcast %sub3A_322 : i32 to vector<16xi32>
        %sub3A_324 = arith.subi %get3A_314, %sub3A_323 : vector<16xi32>
        %jit3A_325 = arith.constant 0 : i32
        %broadcast_in_dim3A_326 = vector.broadcast %jit3A_325 : i32 to vector<16xi32>
        %select_n3A_327 = arith.select %and3A_321, %sub3A_324, %broadcast_in_dim3A_326 : vector<16xi1>, vector<16xi32>
        %gather3A_328 = tpu.vector_load_idx %arg7[%broadcast_in_dim3A_144, %select_n3A_327] : memref<1x50080xf32, #tpu.memory_space<vmem>>[vector<16xi32>, vector<16xi32>], vector<16xf32>,
        %get3A_329 = arith.index_cast %mul3A_312 : i32 to index
        %get3A_330 = tpu.vector_load %arg10[%get3A_329] {strides = array<i32>} : memref<8192xf32, #tpu.memory_space<vmem>>, vector<16xf32>,
        %select_n3A_331 = arith.select %and3A_321, %gather3A_328, %get3A_330 : vector<16xi1>, vector<16xf32>
        %swap3A_332 = arith.index_cast %mul3A_312 : i32 to index
        %swap3A_333 = tpu.vector_load %arg10[%swap3A_332] {strides = array<i32>} : memref<8192xf32, #tpu.memory_space<vmem>>, vector<16xf32>,
        tpu.vector_store %arg10[%swap3A_332], %select_n3A_331 {strides = array<i32>} : memref<8192xf32, #tpu.memory_space<vmem>>, vector<16xf32>,
        %mul3A_334 = arith.constant 8 : i32
        %mul3A_335 = arith.muli %scan3A_202, %mul3A_334 : i32
        %add3A_336 = arith.constant 5 : i32
        %add3A_337 = arith.addi %mul3A_335, %add3A_336 : i32
        %mul3A_338 = arith.constant 16 : i32
        %mul3A_339 = arith.muli %add3A_337, %mul3A_338 : i32
        %get3A_340 = arith.index_cast %mul3A_339 : i32 to index
        %get3A_341 = tpu.vector_load %arg8[%get3A_340] {strides = array<i32>} : memref<8192xi32, #tpu.memory_space<vmem>>, vector<16xi32>,
        %ge3A_342 = arith.constant 49920 : i32
        %ge3A_343 = vector.broadcast %ge3A_342 : i32 to vector<16xi32>
        %ge3A_344 = arith.cmpi sge, %get3A_341, %ge3A_343 : vector<16xi32>
        %lt3A_345 = arith.constant 100000 : i32
        %lt3A_346 = vector.broadcast %lt3A_345 : i32 to vector<16xi32>
        %lt3A_347 = arith.cmpi slt, %get3A_341, %lt3A_346 : vector<16xi32>
        %and3A_348 = arith.andi %ge3A_344, %lt3A_347 : vector<16xi1>
        %sub3A_349 = arith.constant 49920 : i32
        %sub3A_350 = vector.broadcast %sub3A_349 : i32 to vector<16xi32>
        %sub3A_351 = arith.subi %get3A_341, %sub3A_350 : vector<16xi32>
        %jit3A_352 = arith.constant 0 : i32
        %broadcast_in_dim3A_353 = vector.broadcast %jit3A_352 : i32 to vector<16xi32>
        %select_n3A_354 = arith.select %and3A_348, %sub3A_351, %broadcast_in_dim3A_353 : vector<16xi1>, vector<16xi32>
        %gather3A_355 = tpu.vector_load_idx %arg7[%broadcast_in_dim3A_144, %select_n3A_354] : memref<1x50080xf32, #tpu.memory_space<vmem>>[vector<16xi32>, vector<16xi32>], vector<16xf32>,
        %get3A_356 = arith.index_cast %mul3A_339 : i32 to index
        %get3A_357 = tpu.vector_load %arg10[%get3A_356] {strides = array<i32>} : memref<8192xf32, #tpu.memory_space<vmem>>, vector<16xf32>,
        %select_n3A_358 = arith.select %and3A_348, %gather3A_355, %get3A_357 : vector<16xi1>, vector<16xf32>
        %swap3A_359 = arith.index_cast %mul3A_339 : i32 to index
        %swap3A_360 = tpu.vector_load %arg10[%swap3A_359] {strides = array<i32>} : memref<8192xf32, #tpu.memory_space<vmem>>, vector<16xf32>,
        tpu.vector_store %arg10[%swap3A_359], %select_n3A_358 {strides = array<i32>} : memref<8192xf32, #tpu.memory_space<vmem>>, vector<16xf32>,
        %mul3A_361 = arith.constant 8 : i32
        %mul3A_362 = arith.muli %scan3A_202, %mul3A_361 : i32
        %add3A_363 = arith.constant 6 : i32
        %add3A_364 = arith.addi %mul3A_362, %add3A_363 : i32
        %mul3A_365 = arith.constant 16 : i32
        %mul3A_366 = arith.muli %add3A_364, %mul3A_365 : i32
        %get3A_367 = arith.index_cast %mul3A_366 : i32 to index
        %get3A_368 = tpu.vector_load %arg8[%get3A_367] {strides = array<i32>} : memref<8192xi32, #tpu.memory_space<vmem>>, vector<16xi32>,
        %ge3A_369 = arith.constant 49920 : i32
        %ge3A_370 = vector.broadcast %ge3A_369 : i32 to vector<16xi32>
        %ge3A_371 = arith.cmpi sge, %get3A_368, %ge3A_370 : vector<16xi32>
        %lt3A_372 = arith.constant 100000 : i32
        %lt3A_373 = vector.broadcast %lt3A_372 : i32 to vector<16xi32>
        %lt3A_374 = arith.cmpi slt, %get3A_368, %lt3A_373 : vector<16xi32>
        %and3A_375 = arith.andi %ge3A_371, %lt3A_374 : vector<16xi1>
        %sub3A_376 = arith.constant 49920 : i32
        %sub3A_377 = vector.broadcast %sub3A_376 : i32 to vector<16xi32>
        %sub3A_378 = arith.subi %get3A_368, %sub3A_377 : vector<16xi32>
        %jit3A_379 = arith.constant 0 : i32
        %broadcast_in_dim3A_380 = vector.broadcast %jit3A_379 : i32 to vector<16xi32>
        %select_n3A_381 = arith.select %and3A_375, %sub3A_378, %broadcast_in_dim3A_380 : vector<16xi1>, vector<16xi32>
        %gather3A_382 = tpu.vector_load_idx %arg7[%broadcast_in_dim3A_144, %select_n3A_381] : memref<1x50080xf32, #tpu.memory_space<vmem>>[vector<16xi32>, vector<16xi32>], vector<16xf32>,
        %get3A_383 = arith.index_cast %mul3A_366 : i32 to index
        %get3A_384 = tpu.vector_load %arg10[%get3A_383] {strides = array<i32>} : memref<8192xf32, #tpu.memory_space<vmem>>, vector<16xf32>,
        %select_n3A_385 = arith.select %and3A_375, %gather3A_382, %get3A_384 : vector<16xi1>, vector<16xf32>
        %swap3A_386 = arith.index_cast %mul3A_366 : i32 to index
        %swap3A_387 = tpu.vector_load %arg10[%swap3A_386] {strides = array<i32>} : memref<8192xf32, #tpu.memory_space<vmem>>, vector<16xf32>,
        tpu.vector_store %arg10[%swap3A_386], %select_n3A_385 {strides = array<i32>} : memref<8192xf32, #tpu.memory_space<vmem>>, vector<16xf32>,
        %mul3A_388 = arith.constant 8 : i32
        %mul3A_389 = arith.muli %scan3A_202, %mul3A_388 : i32
        %add3A_390 = arith.constant 7 : i32
        %add3A_391 = arith.addi %mul3A_389, %add3A_390 : i32
        %mul3A_392 = arith.constant 16 : i32
        %mul3A_393 = arith.muli %add3A_391, %mul3A_392 : i32
        %get3A_394 = arith.index_cast %mul3A_393 : i32 to index
        %get3A_395 = tpu.vector_load %arg8[%get3A_394] {strides = array<i32>} : memref<8192xi32, #tpu.memory_space<vmem>>, vector<16xi32>,
        %ge3A_396 = arith.constant 49920 : i32
        %ge3A_397 = vector.broadcast %ge3A_396 : i32 to vector<16xi32>
        %ge3A_398 = arith.cmpi sge, %get3A_395, %ge3A_397 : vector<16xi32>
        %lt3A_399 = arith.constant 100000 : i32
        %lt3A_400 = vector.broadcast %lt3A_399 : i32 to vector<16xi32>
        %lt3A_401 = arith.cmpi slt, %get3A_395, %lt3A_400 : vector<16xi32>
        %and3A_402 = arith.andi %ge3A_398, %lt3A_401 : vector<16xi1>
        %sub3A_403 = arith.constant 49920 : i32
        %sub3A_404 = vector.broadcast %sub3A_403 : i32 to vector<16xi32>
        %sub3A_405 = arith.subi %get3A_395, %sub3A_404 : vector<16xi32>
        %jit3A_406 = arith.constant 0 : i32
        %broadcast_in_dim3A_407 = vector.broadcast %jit3A_406 : i32 to vector<16xi32>
        %select_n3A_408 = arith.select %and3A_402, %sub3A_405, %broadcast_in_dim3A_407 : vector<16xi1>, vector<16xi32>
        %gather3A_409 = tpu.vector_load_idx %arg7[%broadcast_in_dim3A_144, %select_n3A_408] : memref<1x50080xf32, #tpu.memory_space<vmem>>[vector<16xi32>, vector<16xi32>], vector<16xf32>,
        %get3A_410 = arith.index_cast %mul3A_393 : i32 to index
        %get3A_411 = tpu.vector_load %arg10[%get3A_410] {strides = array<i32>} : memref<8192xf32, #tpu.memory_space<vmem>>, vector<16xf32>,
        %select_n3A_412 = arith.select %and3A_402, %gather3A_409, %get3A_411 : vector<16xi1>, vector<16xf32>
        %swap3A_413 = arith.index_cast %mul3A_393 : i32 to index
        %swap3A_414 = tpu.vector_load %arg10[%swap3A_413] {strides = array<i32>} : memref<8192xf32, #tpu.memory_space<vmem>>, vector<16xf32>,
        tpu.vector_store %arg10[%swap3A_413], %select_n3A_412 {strides = array<i32>} : memref<8192xf32, #tpu.memory_space<vmem>>, vector<16xf32>,
      }
      %scan3A_150 = arith.constant 64 : i32
      %jit3A_151 = arith.constant 32 : i32
      %div3A_152 = arith.divsi %add3A_49, %jit3A_151 : i32
      %sign3A_153 = arith.constant 0 : i32
      %sign3A_154 = arith.cmpi sgt, %add3A_49, %sign3A_153 : i32
      %sign3A_155 = arith.extui %sign3A_154 : i1 to i32
      %sign3A_156 = arith.constant 0 : i32
      %sign3A_157 = arith.cmpi slt, %add3A_49, %sign3A_156 : i32
      %sign3A_158 = arith.extui %sign3A_157 : i1 to i32
      %sign3A_159 = arith.subi %sign3A_155, %sign3A_158 : i32
      %sign3A_160 = arith.constant 0 : i32
      %sign3A_161 = arith.cmpi sgt, %jit3A_151, %sign3A_160 : i32
      %sign3A_162 = arith.extui %sign3A_161 : i1 to i32
      %sign3A_163 = arith.constant 0 : i32
      %sign3A_164 = arith.cmpi slt, %jit3A_151, %sign3A_163 : i32
      %sign3A_165 = arith.extui %sign3A_164 : i1 to i32
      %sign3A_166 = arith.subi %sign3A_162, %sign3A_165 : i32
      %ne3A_167 = arith.cmpi ne, %sign3A_159, %sign3A_166 : i32
      %rem3A_168 = arith.remsi %add3A_49, %jit3A_151 : i32
      %ne3A_169 = arith.constant 0 : i32
      %ne3A_170 = arith.cmpi ne, %rem3A_168, %ne3A_169 : i32
      %and3A_171 = arith.andi %ne3A_167, %ne3A_170 : i1
      %sub3A_172 = arith.constant 1 : i32
      %sub3A_173 = arith.subi %div3A_152, %sub3A_172 : i32
      %select_n3A_174 = arith.select %and3A_171, %sub3A_173, %div3A_152 : i32
      "tpu.region"() ({
        %run_scoped3A = tpu.sem_alloc : memref<!tpu.dma_semaphore, #tpu.memory_space<semaphore_mem>>
        %dma_start3A_202 = arith.constant 0 : i32
        %dma_start3A_203 = tpu.memref_slice %arg2[%select_n3A_174, %dma_start3A_202] : memref<26x16384xi32, #tpu.memory_space<hbm>> -> memref<1x8192xi32, #tpu.memory_space<hbm>>
        %dma_start3A_204 = tpu.memref_squeeze %dma_start3A_203 : memref<1x8192xi32, #tpu.memory_space<hbm>> -> memref<8192xi32, #tpu.memory_space<hbm>>
        %dma_start3A_205 = arith.constant 0 : i32
        %dma_start3A_206 = tpu.memref_slice %arg2[%select_n3A_174, %dma_start3A_205] : memref<26x16384xi32, #tpu.memory_space<hbm>> -> memref<1x8192xi32, #tpu.memory_space<hbm>>
        %dma_start3A_207 = tpu.memref_squeeze %dma_start3A_206 : memref<1x8192xi32, #tpu.memory_space<hbm>> -> memref<8192xi32, #tpu.memory_space<hbm>>
        tpu.enqueue_dma source(%dma_start3A_207 : memref<8192xi32, #tpu.memory_space<hbm>>) target(%arg8 : memref<8192xi32, #tpu.memory_space<vmem>>) target_semaphore(%run_scoped3A : memref<!tpu.dma_semaphore, #tpu.memory_space<semaphore_mem>>)
        %dma_wait3A_208 = arith.constant 0 : i32
        %dma_wait3A_209 = tpu.memref_slice %arg2[%select_n3A_174, %dma_wait3A_208] : memref<26x16384xi32, #tpu.memory_space<hbm>> -> memref<1x8192xi32, #tpu.memory_space<hbm>>
        %dma_wait3A_210 = tpu.memref_squeeze %dma_wait3A_209 : memref<1x8192xi32, #tpu.memory_space<hbm>> -> memref<8192xi32, #tpu.memory_space<hbm>>
        %dma_wait3A_211 = arith.constant 0 : i32
        %dma_wait3A_212 = tpu.memref_slice %arg2[%select_n3A_174, %dma_wait3A_211] : memref<26x16384xi32, #tpu.memory_space<hbm>> -> memref<1x8192xi32, #tpu.memory_space<hbm>>
        %dma_wait3A_213 = tpu.memref_squeeze %dma_wait3A_212 : memref<1x8192xi32, #tpu.memory_space<hbm>> -> memref<8192xi32, #tpu.memory_space<hbm>>
        tpu.wait_dma2 semaphore(%run_scoped3A : memref<!tpu.dma_semaphore, #tpu.memory_space<semaphore_mem>>) src(%dma_wait3A_213 : memref<8192xi32, #tpu.memory_space<hbm>>) dst(%arg8 : memref<8192xi32, #tpu.memory_space<vmem>>)
        tpu.yield
      }) : () -> ()
      %broadcast_in_dim3A_175 = arith.constant 0 : i32
      %broadcast_in_dim3A_176 = vector.broadcast %broadcast_in_dim3A_175 : i32 to vector<16xi32>
      %scan3A_177 = arith.constant 0 : i32
      %scan3A_178 = arith.constant 0 : i32
      %scan3A_179 = arith.constant 64 : i32
      %scan3A_180 = arith.addi %scan3A_178, %scan3A_179 : i32
      %scan3A_181 = arith.constant 1 : i32
      scf.for %scan3A_202 = %scan3A_178 to %scan3A_180 step %scan3A_181  : i32 {
        %mul3A_203 = arith.constant 8 : i32
        %mul3A_204 = arith.muli %scan3A_202, %mul3A_203 : i32
        %add3A_205 = arith.constant 0 : i32
        %add3A_206 = arith.addi %mul3A_204, %add3A_205 : i32
        %mul3A_207 = arith.constant 16 : i32
        %mul3A_208 = arith.muli %add3A_206, %mul3A_207 : i32
        %get3A = arith.index_cast %mul3A_208 : i32 to index
        %get3A_209 = tpu.vector_load %arg8[%get3A] {strides = array<i32>} : memref<8192xi32, #tpu.memory_space<vmem>>, vector<16xi32>,
        %ge3A = arith.constant 49920 : i32
        %ge3A_210 = vector.broadcast %ge3A : i32 to vector<16xi32>
        %ge3A_211 = arith.cmpi sge, %get3A_209, %ge3A_210 : vector<16xi32>
        %lt3A_212 = arith.constant 100000 : i32
        %lt3A_213 = vector.broadcast %lt3A_212 : i32 to vector<16xi32>
        %lt3A_214 = arith.cmpi slt, %get3A_209, %lt3A_213 : vector<16xi32>
        %and3A_215 = arith.andi %ge3A_211, %lt3A_214 : vector<16xi1>
        %sub3A_216 = arith.constant 49920 : i32
        %sub3A_217 = vector.broadcast %sub3A_216 : i32 to vector<16xi32>
        %sub3A_218 = arith.subi %get3A_209, %sub3A_217 : vector<16xi32>
        %jit3A_219 = arith.constant 0 : i32
        %broadcast_in_dim3A_220 = vector.broadcast %jit3A_219 : i32 to vector<16xi32>
        %select_n3A_221 = arith.select %and3A_215, %sub3A_218, %broadcast_in_dim3A_220 : vector<16xi1>, vector<16xi32>
        %gather3A = tpu.vector_load_idx %arg7[%broadcast_in_dim3A_176, %select_n3A_221] : memref<1x50080xf32, #tpu.memory_space<vmem>>[vector<16xi32>, vector<16xi32>], vector<16xf32>,
        %get3A_222 = arith.index_cast %mul3A_208 : i32 to index
        %get3A_223 = tpu.vector_load %arg9[%get3A_222] {strides = array<i32>} : memref<8192xf32, #tpu.memory_space<vmem>>, vector<16xf32>,
        %select_n3A_224 = arith.select %and3A_215, %gather3A, %get3A_223 : vector<16xi1>, vector<16xf32>
        %swap3A = arith.index_cast %mul3A_208 : i32 to index
        %swap3A_225 = tpu.vector_load %arg9[%swap3A] {strides = array<i32>} : memref<8192xf32, #tpu.memory_space<vmem>>, vector<16xf32>,
        tpu.vector_store %arg9[%swap3A], %select_n3A_224 {strides = array<i32>} : memref<8192xf32, #tpu.memory_space<vmem>>, vector<16xf32>,
        %mul3A_226 = arith.constant 8 : i32
        %mul3A_227 = arith.muli %scan3A_202, %mul3A_226 : i32
        %add3A_228 = arith.constant 1 : i32
        %add3A_229 = arith.addi %mul3A_227, %add3A_228 : i32
        %mul3A_230 = arith.constant 16 : i32
        %mul3A_231 = arith.muli %add3A_229, %mul3A_230 : i32
        %get3A_232 = arith.index_cast %mul3A_231 : i32 to index
        %get3A_233 = tpu.vector_load %arg8[%get3A_232] {strides = array<i32>} : memref<8192xi32, #tpu.memory_space<vmem>>, vector<16xi32>,
        %ge3A_234 = arith.constant 49920 : i32
        %ge3A_235 = vector.broadcast %ge3A_234 : i32 to vector<16xi32>
        %ge3A_236 = arith.cmpi sge, %get3A_233, %ge3A_235 : vector<16xi32>
        %lt3A_237 = arith.constant 100000 : i32
        %lt3A_238 = vector.broadcast %lt3A_237 : i32 to vector<16xi32>
        %lt3A_239 = arith.cmpi slt, %get3A_233, %lt3A_238 : vector<16xi32>
        %and3A_240 = arith.andi %ge3A_236, %lt3A_239 : vector<16xi1>
        %sub3A_241 = arith.constant 49920 : i32
        %sub3A_242 = vector.broadcast %sub3A_241 : i32 to vector<16xi32>
        %sub3A_243 = arith.subi %get3A_233, %sub3A_242 : vector<16xi32>
        %jit3A_244 = arith.constant 0 : i32
        %broadcast_in_dim3A_245 = vector.broadcast %jit3A_244 : i32 to vector<16xi32>
        %select_n3A_246 = arith.select %and3A_240, %sub3A_243, %broadcast_in_dim3A_245 : vector<16xi1>, vector<16xi32>
        %gather3A_247 = tpu.vector_load_idx %arg7[%broadcast_in_dim3A_176, %select_n3A_246] : memref<1x50080xf32, #tpu.memory_space<vmem>>[vector<16xi32>, vector<16xi32>], vector<16xf32>,
        %get3A_248 = arith.index_cast %mul3A_231 : i32 to index
        %get3A_249 = tpu.vector_load %arg9[%get3A_248] {strides = array<i32>} : memref<8192xf32, #tpu.memory_space<vmem>>, vector<16xf32>,
        %select_n3A_250 = arith.select %and3A_240, %gather3A_247, %get3A_249 : vector<16xi1>, vector<16xf32>
        %swap3A_251 = arith.index_cast %mul3A_231 : i32 to index
        %swap3A_252 = tpu.vector_load %arg9[%swap3A_251] {strides = array<i32>} : memref<8192xf32, #tpu.memory_space<vmem>>, vector<16xf32>,
        tpu.vector_store %arg9[%swap3A_251], %select_n3A_250 {strides = array<i32>} : memref<8192xf32, #tpu.memory_space<vmem>>, vector<16xf32>,
        %mul3A_253 = arith.constant 8 : i32
        %mul3A_254 = arith.muli %scan3A_202, %mul3A_253 : i32
        %add3A_255 = arith.constant 2 : i32
        %add3A_256 = arith.addi %mul3A_254, %add3A_255 : i32
        %mul3A_257 = arith.constant 16 : i32
        %mul3A_258 = arith.muli %add3A_256, %mul3A_257 : i32
        %get3A_259 = arith.index_cast %mul3A_258 : i32 to index
        %get3A_260 = tpu.vector_load %arg8[%get3A_259] {strides = array<i32>} : memref<8192xi32, #tpu.memory_space<vmem>>, vector<16xi32>,
        %ge3A_261 = arith.constant 49920 : i32
        %ge3A_262 = vector.broadcast %ge3A_261 : i32 to vector<16xi32>
        %ge3A_263 = arith.cmpi sge, %get3A_260, %ge3A_262 : vector<16xi32>
        %lt3A_264 = arith.constant 100000 : i32
        %lt3A_265 = vector.broadcast %lt3A_264 : i32 to vector<16xi32>
        %lt3A_266 = arith.cmpi slt, %get3A_260, %lt3A_265 : vector<16xi32>
        %and3A_267 = arith.andi %ge3A_263, %lt3A_266 : vector<16xi1>
        %sub3A_268 = arith.constant 49920 : i32
        %sub3A_269 = vector.broadcast %sub3A_268 : i32 to vector<16xi32>
        %sub3A_270 = arith.subi %get3A_260, %sub3A_269 : vector<16xi32>
        %jit3A_271 = arith.constant 0 : i32
        %broadcast_in_dim3A_272 = vector.broadcast %jit3A_271 : i32 to vector<16xi32>
        %select_n3A_273 = arith.select %and3A_267, %sub3A_270, %broadcast_in_dim3A_272 : vector<16xi1>, vector<16xi32>
        %gather3A_274 = tpu.vector_load_idx %arg7[%broadcast_in_dim3A_176, %select_n3A_273] : memref<1x50080xf32, #tpu.memory_space<vmem>>[vector<16xi32>, vector<16xi32>], vector<16xf32>,
        %get3A_275 = arith.index_cast %mul3A_258 : i32 to index
        %get3A_276 = tpu.vector_load %arg9[%get3A_275] {strides = array<i32>} : memref<8192xf32, #tpu.memory_space<vmem>>, vector<16xf32>,
        %select_n3A_277 = arith.select %and3A_267, %gather3A_274, %get3A_276 : vector<16xi1>, vector<16xf32>
        %swap3A_278 = arith.index_cast %mul3A_258 : i32 to index
        %swap3A_279 = tpu.vector_load %arg9[%swap3A_278] {strides = array<i32>} : memref<8192xf32, #tpu.memory_space<vmem>>, vector<16xf32>,
        tpu.vector_store %arg9[%swap3A_278], %select_n3A_277 {strides = array<i32>} : memref<8192xf32, #tpu.memory_space<vmem>>, vector<16xf32>,
        %mul3A_280 = arith.constant 8 : i32
        %mul3A_281 = arith.muli %scan3A_202, %mul3A_280 : i32
        %add3A_282 = arith.constant 3 : i32
        %add3A_283 = arith.addi %mul3A_281, %add3A_282 : i32
        %mul3A_284 = arith.constant 16 : i32
        %mul3A_285 = arith.muli %add3A_283, %mul3A_284 : i32
        %get3A_286 = arith.index_cast %mul3A_285 : i32 to index
        %get3A_287 = tpu.vector_load %arg8[%get3A_286] {strides = array<i32>} : memref<8192xi32, #tpu.memory_space<vmem>>, vector<16xi32>,
        %ge3A_288 = arith.constant 49920 : i32
        %ge3A_289 = vector.broadcast %ge3A_288 : i32 to vector<16xi32>
        %ge3A_290 = arith.cmpi sge, %get3A_287, %ge3A_289 : vector<16xi32>
        %lt3A_291 = arith.constant 100000 : i32
        %lt3A_292 = vector.broadcast %lt3A_291 : i32 to vector<16xi32>
        %lt3A_293 = arith.cmpi slt, %get3A_287, %lt3A_292 : vector<16xi32>
        %and3A_294 = arith.andi %ge3A_290, %lt3A_293 : vector<16xi1>
        %sub3A_295 = arith.constant 49920 : i32
        %sub3A_296 = vector.broadcast %sub3A_295 : i32 to vector<16xi32>
        %sub3A_297 = arith.subi %get3A_287, %sub3A_296 : vector<16xi32>
        %jit3A_298 = arith.constant 0 : i32
        %broadcast_in_dim3A_299 = vector.broadcast %jit3A_298 : i32 to vector<16xi32>
        %select_n3A_300 = arith.select %and3A_294, %sub3A_297, %broadcast_in_dim3A_299 : vector<16xi1>, vector<16xi32>
        %gather3A_301 = tpu.vector_load_idx %arg7[%broadcast_in_dim3A_176, %select_n3A_300] : memref<1x50080xf32, #tpu.memory_space<vmem>>[vector<16xi32>, vector<16xi32>], vector<16xf32>,
        %get3A_302 = arith.index_cast %mul3A_285 : i32 to index
        %get3A_303 = tpu.vector_load %arg9[%get3A_302] {strides = array<i32>} : memref<8192xf32, #tpu.memory_space<vmem>>, vector<16xf32>,
        %select_n3A_304 = arith.select %and3A_294, %gather3A_301, %get3A_303 : vector<16xi1>, vector<16xf32>
        %swap3A_305 = arith.index_cast %mul3A_285 : i32 to index
        %swap3A_306 = tpu.vector_load %arg9[%swap3A_305] {strides = array<i32>} : memref<8192xf32, #tpu.memory_space<vmem>>, vector<16xf32>,
        tpu.vector_store %arg9[%swap3A_305], %select_n3A_304 {strides = array<i32>} : memref<8192xf32, #tpu.memory_space<vmem>>, vector<16xf32>,
        %mul3A_307 = arith.constant 8 : i32
        %mul3A_308 = arith.muli %scan3A_202, %mul3A_307 : i32
        %add3A_309 = arith.constant 4 : i32
        %add3A_310 = arith.addi %mul3A_308, %add3A_309 : i32
        %mul3A_311 = arith.constant 16 : i32
        %mul3A_312 = arith.muli %add3A_310, %mul3A_311 : i32
        %get3A_313 = arith.index_cast %mul3A_312 : i32 to index
        %get3A_314 = tpu.vector_load %arg8[%get3A_313] {strides = array<i32>} : memref<8192xi32, #tpu.memory_space<vmem>>, vector<16xi32>,
        %ge3A_315 = arith.constant 49920 : i32
        %ge3A_316 = vector.broadcast %ge3A_315 : i32 to vector<16xi32>
        %ge3A_317 = arith.cmpi sge, %get3A_314, %ge3A_316 : vector<16xi32>
        %lt3A_318 = arith.constant 100000 : i32
        %lt3A_319 = vector.broadcast %lt3A_318 : i32 to vector<16xi32>
        %lt3A_320 = arith.cmpi slt, %get3A_314, %lt3A_319 : vector<16xi32>
        %and3A_321 = arith.andi %ge3A_317, %lt3A_320 : vector<16xi1>
        %sub3A_322 = arith.constant 49920 : i32
        %sub3A_323 = vector.broadcast %sub3A_322 : i32 to vector<16xi32>
        %sub3A_324 = arith.subi %get3A_314, %sub3A_323 : vector<16xi32>
        %jit3A_325 = arith.constant 0 : i32
        %broadcast_in_dim3A_326 = vector.broadcast %jit3A_325 : i32 to vector<16xi32>
        %select_n3A_327 = arith.select %and3A_321, %sub3A_324, %broadcast_in_dim3A_326 : vector<16xi1>, vector<16xi32>
        %gather3A_328 = tpu.vector_load_idx %arg7[%broadcast_in_dim3A_176, %select_n3A_327] : memref<1x50080xf32, #tpu.memory_space<vmem>>[vector<16xi32>, vector<16xi32>], vector<16xf32>,
        %get3A_329 = arith.index_cast %mul3A_312 : i32 to index
        %get3A_330 = tpu.vector_load %arg9[%get3A_329] {strides = array<i32>} : memref<8192xf32, #tpu.memory_space<vmem>>, vector<16xf32>,
        %select_n3A_331 = arith.select %and3A_321, %gather3A_328, %get3A_330 : vector<16xi1>, vector<16xf32>
        %swap3A_332 = arith.index_cast %mul3A_312 : i32 to index
        %swap3A_333 = tpu.vector_load %arg9[%swap3A_332] {strides = array<i32>} : memref<8192xf32, #tpu.memory_space<vmem>>, vector<16xf32>,
        tpu.vector_store %arg9[%swap3A_332], %select_n3A_331 {strides = array<i32>} : memref<8192xf32, #tpu.memory_space<vmem>>, vector<16xf32>,
        %mul3A_334 = arith.constant 8 : i32
        %mul3A_335 = arith.muli %scan3A_202, %mul3A_334 : i32
        %add3A_336 = arith.constant 5 : i32
        %add3A_337 = arith.addi %mul3A_335, %add3A_336 : i32
        %mul3A_338 = arith.constant 16 : i32
        %mul3A_339 = arith.muli %add3A_337, %mul3A_338 : i32
        %get3A_340 = arith.index_cast %mul3A_339 : i32 to index
        %get3A_341 = tpu.vector_load %arg8[%get3A_340] {strides = array<i32>} : memref<8192xi32, #tpu.memory_space<vmem>>, vector<16xi32>,
        %ge3A_342 = arith.constant 49920 : i32
        %ge3A_343 = vector.broadcast %ge3A_342 : i32 to vector<16xi32>
        %ge3A_344 = arith.cmpi sge, %get3A_341, %ge3A_343 : vector<16xi32>
        %lt3A_345 = arith.constant 100000 : i32
        %lt3A_346 = vector.broadcast %lt3A_345 : i32 to vector<16xi32>
        %lt3A_347 = arith.cmpi slt, %get3A_341, %lt3A_346 : vector<16xi32>
        %and3A_348 = arith.andi %ge3A_344, %lt3A_347 : vector<16xi1>
        %sub3A_349 = arith.constant 49920 : i32
        %sub3A_350 = vector.broadcast %sub3A_349 : i32 to vector<16xi32>
        %sub3A_351 = arith.subi %get3A_341, %sub3A_350 : vector<16xi32>
        %jit3A_352 = arith.constant 0 : i32
        %broadcast_in_dim3A_353 = vector.broadcast %jit3A_352 : i32 to vector<16xi32>
        %select_n3A_354 = arith.select %and3A_348, %sub3A_351, %broadcast_in_dim3A_353 : vector<16xi1>, vector<16xi32>
        %gather3A_355 = tpu.vector_load_idx %arg7[%broadcast_in_dim3A_176, %select_n3A_354] : memref<1x50080xf32, #tpu.memory_space<vmem>>[vector<16xi32>, vector<16xi32>], vector<16xf32>,
        %get3A_356 = arith.index_cast %mul3A_339 : i32 to index
        %get3A_357 = tpu.vector_load %arg9[%get3A_356] {strides = array<i32>} : memref<8192xf32, #tpu.memory_space<vmem>>, vector<16xf32>,
        %select_n3A_358 = arith.select %and3A_348, %gather3A_355, %get3A_357 : vector<16xi1>, vector<16xf32>
        %swap3A_359 = arith.index_cast %mul3A_339 : i32 to index
        %swap3A_360 = tpu.vector_load %arg9[%swap3A_359] {strides = array<i32>} : memref<8192xf32, #tpu.memory_space<vmem>>, vector<16xf32>,
        tpu.vector_store %arg9[%swap3A_359], %select_n3A_358 {strides = array<i32>} : memref<8192xf32, #tpu.memory_space<vmem>>, vector<16xf32>,
        %mul3A_361 = arith.constant 8 : i32
        %mul3A_362 = arith.muli %scan3A_202, %mul3A_361 : i32
        %add3A_363 = arith.constant 6 : i32
        %add3A_364 = arith.addi %mul3A_362, %add3A_363 : i32
        %mul3A_365 = arith.constant 16 : i32
        %mul3A_366 = arith.muli %add3A_364, %mul3A_365 : i32
        %get3A_367 = arith.index_cast %mul3A_366 : i32 to index
        %get3A_368 = tpu.vector_load %arg8[%get3A_367] {strides = array<i32>} : memref<8192xi32, #tpu.memory_space<vmem>>, vector<16xi32>,
        %ge3A_369 = arith.constant 49920 : i32
        %ge3A_370 = vector.broadcast %ge3A_369 : i32 to vector<16xi32>
        %ge3A_371 = arith.cmpi sge, %get3A_368, %ge3A_370 : vector<16xi32>
        %lt3A_372 = arith.constant 100000 : i32
        %lt3A_373 = vector.broadcast %lt3A_372 : i32 to vector<16xi32>
        %lt3A_374 = arith.cmpi slt, %get3A_368, %lt3A_373 : vector<16xi32>
        %and3A_375 = arith.andi %ge3A_371, %lt3A_374 : vector<16xi1>
        %sub3A_376 = arith.constant 49920 : i32
        %sub3A_377 = vector.broadcast %sub3A_376 : i32 to vector<16xi32>
        %sub3A_378 = arith.subi %get3A_368, %sub3A_377 : vector<16xi32>
        %jit3A_379 = arith.constant 0 : i32
        %broadcast_in_dim3A_380 = vector.broadcast %jit3A_379 : i32 to vector<16xi32>
        %select_n3A_381 = arith.select %and3A_375, %sub3A_378, %broadcast_in_dim3A_380 : vector<16xi1>, vector<16xi32>
        %gather3A_382 = tpu.vector_load_idx %arg7[%broadcast_in_dim3A_176, %select_n3A_381] : memref<1x50080xf32, #tpu.memory_space<vmem>>[vector<16xi32>, vector<16xi32>], vector<16xf32>,
        %get3A_383 = arith.index_cast %mul3A_366 : i32 to index
        %get3A_384 = tpu.vector_load %arg9[%get3A_383] {strides = array<i32>} : memref<8192xf32, #tpu.memory_space<vmem>>, vector<16xf32>,
        %select_n3A_385 = arith.select %and3A_375, %gather3A_382, %get3A_384 : vector<16xi1>, vector<16xf32>
        %swap3A_386 = arith.index_cast %mul3A_366 : i32 to index
        %swap3A_387 = tpu.vector_load %arg9[%swap3A_386] {strides = array<i32>} : memref<8192xf32, #tpu.memory_space<vmem>>, vector<16xf32>,
        tpu.vector_store %arg9[%swap3A_386], %select_n3A_385 {strides = array<i32>} : memref<8192xf32, #tpu.memory_space<vmem>>, vector<16xf32>,
        %mul3A_388 = arith.constant 8 : i32
        %mul3A_389 = arith.muli %scan3A_202, %mul3A_388 : i32
        %add3A_390 = arith.constant 7 : i32
        %add3A_391 = arith.addi %mul3A_389, %add3A_390 : i32
        %mul3A_392 = arith.constant 16 : i32
        %mul3A_393 = arith.muli %add3A_391, %mul3A_392 : i32
        %get3A_394 = arith.index_cast %mul3A_393 : i32 to index
        %get3A_395 = tpu.vector_load %arg8[%get3A_394] {strides = array<i32>} : memref<8192xi32, #tpu.memory_space<vmem>>, vector<16xi32>,
        %ge3A_396 = arith.constant 49920 : i32
        %ge3A_397 = vector.broadcast %ge3A_396 : i32 to vector<16xi32>
        %ge3A_398 = arith.cmpi sge, %get3A_395, %ge3A_397 : vector<16xi32>
        %lt3A_399 = arith.constant 100000 : i32
        %lt3A_400 = vector.broadcast %lt3A_399 : i32 to vector<16xi32>
        %lt3A_401 = arith.cmpi slt, %get3A_395, %lt3A_400 : vector<16xi32>
        %and3A_402 = arith.andi %ge3A_398, %lt3A_401 : vector<16xi1>
        %sub3A_403 = arith.constant 49920 : i32
        %sub3A_404 = vector.broadcast %sub3A_403 : i32 to vector<16xi32>
        %sub3A_405 = arith.subi %get3A_395, %sub3A_404 : vector<16xi32>
        %jit3A_406 = arith.constant 0 : i32
        %broadcast_in_dim3A_407 = vector.broadcast %jit3A_406 : i32 to vector<16xi32>
        %select_n3A_408 = arith.select %and3A_402, %sub3A_405, %broadcast_in_dim3A_407 : vector<16xi1>, vector<16xi32>
        %gather3A_409 = tpu.vector_load_idx %arg7[%broadcast_in_dim3A_176, %select_n3A_408] : memref<1x50080xf32, #tpu.memory_space<vmem>>[vector<16xi32>, vector<16xi32>], vector<16xf32>,
        %get3A_410 = arith.index_cast %mul3A_393 : i32 to index
        %get3A_411 = tpu.vector_load %arg9[%get3A_410] {strides = array<i32>} : memref<8192xf32, #tpu.memory_space<vmem>>, vector<16xf32>,
        %select_n3A_412 = arith.select %and3A_402, %gather3A_409, %get3A_411 : vector<16xi1>, vector<16xf32>
        %swap3A_413 = arith.index_cast %mul3A_393 : i32 to index
        %swap3A_414 = tpu.vector_load %arg9[%swap3A_413] {strides = array<i32>} : memref<8192xf32, #tpu.memory_space<vmem>>, vector<16xf32>,
        tpu.vector_store %arg9[%swap3A_413], %select_n3A_412 {strides = array<i32>} : memref<8192xf32, #tpu.memory_space<vmem>>, vector<16xf32>,
      }
      %scan3A_182 = arith.constant 64 : i32
      %add3A_183 = arith.constant 1 : i32
      %add3A_184 = arith.addi %scan3A_48, %add3A_183 : i32
      %lt3A_185 = arith.constant 26 : i32
      %lt3A_186 = arith.cmpi slt, %add3A_184, %lt3A_185 : i32
      %convert_element_type3A_187 = arith.extui %lt3A_186 : i1 to i32
      %cond3A_188 = arith.constant 0 : i32
      %cond3A_189 = arith.cmpi ne, %convert_element_type3A_187, %cond3A_188 : i32
      scf.if %cond3A_189 {
        %add3A_202 = arith.constant 1 : i32
        %add3A_203 = arith.addi %add3A_49, %add3A_202 : i32
        %dma_start3A_204 = arith.constant 0 : i32
        %dma_start3A_205 = arith.constant 0 : i32
        %dma_start3A_206 = tpu.memref_slice %arg7[%dma_start3A_204, %dma_start3A_205] : memref<1x50080xf32, #tpu.memory_space<vmem>> -> memref<1x49920xf32, #tpu.memory_space<vmem>>
        %dma_start3A_207 = arith.constant 49920 : i32
        %dma_start3A_208 = tpu.memref_slice %arg3[%add3A_203, %dma_start3A_207] : memref<832x100000xf32, #tpu.memory_space<hbm>> -> memref<1x49920xf32, #tpu.memory_space<hbm>>
        %dma_start3A_209 = arith.constant 0 : i32
        %dma_start3A_210 = arith.constant 0 : i32
        %dma_start3A_211 = tpu.memref_slice %arg7[%dma_start3A_209, %dma_start3A_210] : memref<1x50080xf32, #tpu.memory_space<vmem>> -> memref<1x49920xf32, #tpu.memory_space<vmem>>
        %dma_start3A_212 = arith.constant 49920 : i32
        %dma_start3A_213 = tpu.memref_slice %arg3[%add3A_203, %dma_start3A_212] : memref<832x100000xf32, #tpu.memory_space<hbm>> -> memref<1x49920xf32, #tpu.memory_space<hbm>>
        tpu.enqueue_dma source(%dma_start3A_213 : memref<1x49920xf32, #tpu.memory_space<hbm>>) target(%dma_start3A_211 : memref<1x49920xf32, #tpu.memory_space<vmem>>) target_semaphore(%arg12 : memref<!tpu.dma_semaphore, #tpu.memory_space<semaphore_mem>>)
        %add3A_214 = arith.constant 1 : i32
        %add3A_215 = arith.addi %add3A_49, %add3A_214 : i32
        %dma_start3A_216 = arith.constant 0 : i32
        %dma_start3A_217 = arith.constant 49920 : i32
        %dma_start3A_218 = tpu.memref_slice %arg7[%dma_start3A_216, %dma_start3A_217] : memref<1x50080xf32, #tpu.memory_space<vmem>> -> memref<1x160xf32, #tpu.memory_space<vmem>>
        %dma_start3A_219 = arith.constant 0 : i32
        %dma_start3A_220 = tpu.memref_slice %arg4[%add3A_215, %dma_start3A_219] : memref<832x160xf32, #tpu.memory_space<hbm>> -> memref<1x160xf32, #tpu.memory_space<hbm>>
        %dma_start3A_221 = arith.constant 0 : i32
        %dma_start3A_222 = arith.constant 49920 : i32
        %dma_start3A_223 = tpu.memref_slice %arg7[%dma_start3A_221, %dma_start3A_222] : memref<1x50080xf32, #tpu.memory_space<vmem>> -> memref<1x160xf32, #tpu.memory_space<vmem>>
        %dma_start3A_224 = arith.constant 0 : i32
        %dma_start3A_225 = tpu.memref_slice %arg4[%add3A_215, %dma_start3A_224] : memref<832x160xf32, #tpu.memory_space<hbm>> -> memref<1x160xf32, #tpu.memory_space<hbm>>
        tpu.enqueue_dma source(%dma_start3A_225 : memref<1x160xf32, #tpu.memory_space<hbm>>) target(%dma_start3A_223 : memref<1x160xf32, #tpu.memory_space<vmem>>) target_semaphore(%arg12 : memref<!tpu.dma_semaphore, #tpu.memory_space<semaphore_mem>>)
      } else {
      }
      %dma_start3A_190 = arith.constant 0 : i32
      %dma_start3A_191 = tpu.memref_slice %arg5[%add3A_49, %dma_start3A_190] : memref<832x16384xf32, #tpu.memory_space<hbm>> -> memref<1x8192xf32, #tpu.memory_space<hbm>>
      %dma_start3A_192 = tpu.memref_squeeze %dma_start3A_191 : memref<1x8192xf32, #tpu.memory_space<hbm>> -> memref<8192xf32, #tpu.memory_space<hbm>>
      %dma_start3A_193 = arith.constant 0 : i32
      %dma_start3A_194 = tpu.memref_slice %arg5[%add3A_49, %dma_start3A_193] : memref<832x16384xf32, #tpu.memory_space<hbm>> -> memref<1x8192xf32, #tpu.memory_space<hbm>>
      %dma_start3A_195 = tpu.memref_squeeze %dma_start3A_194 : memref<1x8192xf32, #tpu.memory_space<hbm>> -> memref<8192xf32, #tpu.memory_space<hbm>>
      tpu.enqueue_dma source(%arg9 : memref<8192xf32, #tpu.memory_space<vmem>>) target(%dma_start3A_195 : memref<8192xf32, #tpu.memory_space<hbm>>) target_semaphore(%arg13 : memref<!tpu.dma_semaphore, #tpu.memory_space<semaphore_mem>>)
      %dma_start3A_196 = arith.constant 8192 : i32
      %dma_start3A_197 = tpu.memref_slice %arg5[%add3A_49, %dma_start3A_196] : memref<832x16384xf32, #tpu.memory_space<hbm>> -> memref<1x8192xf32, #tpu.memory_space<hbm>>
      %dma_start3A_198 = tpu.memref_squeeze %dma_start3A_197 : memref<1x8192xf32, #tpu.memory_space<hbm>> -> memref<8192xf32, #tpu.memory_space<hbm>>
      %dma_start3A_199 = arith.constant 8192 : i32
      %dma_start3A_200 = tpu.memref_slice %arg5[%add3A_49, %dma_start3A_199] : memref<832x16384xf32, #tpu.memory_space<hbm>> -> memref<1x8192xf32, #tpu.memory_space<hbm>>
      %dma_start3A_201 = tpu.memref_squeeze %dma_start3A_200 : memref<1x8192xf32, #tpu.memory_space<hbm>> -> memref<8192xf32, #tpu.memory_space<hbm>>
      tpu.enqueue_dma source(%arg10 : memref<8192xf32, #tpu.memory_space<vmem>>) target(%dma_start3A_201 : memref<8192xf32, #tpu.memory_space<hbm>>) target_semaphore(%arg14 : memref<!tpu.dma_semaphore, #tpu.memory_space<semaphore_mem>>)
    }
    %scan3A_36 = arith.constant 26 : i32
    %dma_wait3A = arith.constant 0 : i32
    %dma_wait3A_37 = tpu.memref_slice %arg5[%mul3A_2, %dma_wait3A] : memref<832x16384xf32, #tpu.memory_space<hbm>> -> memref<1x8192xf32, #tpu.memory_space<hbm>>
    %dma_wait3A_38 = tpu.memref_squeeze %dma_wait3A_37 : memref<1x8192xf32, #tpu.memory_space<hbm>> -> memref<8192xf32, #tpu.memory_space<hbm>>
    %dma_wait3A_39 = arith.constant 0 : i32
    %dma_wait3A_40 = tpu.memref_slice %arg5[%mul3A_2, %dma_wait3A_39] : memref<832x16384xf32, #tpu.memory_space<hbm>> -> memref<1x8192xf32, #tpu.memory_space<hbm>>
    %dma_wait3A_41 = tpu.memref_squeeze %dma_wait3A_40 : memref<1x8192xf32, #tpu.memory_space<hbm>> -> memref<8192xf32, #tpu.memory_space<hbm>>
    tpu.wait_dma2 semaphore(%arg13 : memref<!tpu.dma_semaphore, #tpu.memory_space<semaphore_mem>>) src(%arg9 : memref<8192xf32, #tpu.memory_space<vmem>>) dst(%dma_wait3A_41 : memref<8192xf32, #tpu.memory_space<hbm>>)
    %dma_wait3A_42 = arith.constant 8192 : i32
    %dma_wait3A_43 = tpu.memref_slice %arg5[%mul3A_2, %dma_wait3A_42] : memref<832x16384xf32, #tpu.memory_space<hbm>> -> memref<1x8192xf32, #tpu.memory_space<hbm>>
    %dma_wait3A_44 = tpu.memref_squeeze %dma_wait3A_43 : memref<1x8192xf32, #tpu.memory_space<hbm>> -> memref<8192xf32, #tpu.memory_space<hbm>>
    %dma_wait3A_45 = arith.constant 8192 : i32
    %dma_wait3A_46 = tpu.memref_slice %arg5[%mul3A_2, %dma_wait3A_45] : memref<832x16384xf32, #tpu.memory_space<hbm>> -> memref<1x8192xf32, #tpu.memory_space<hbm>>
    %dma_wait3A_47 = tpu.memref_squeeze %dma_wait3A_46 : memref<1x8192xf32, #tpu.memory_space<hbm>> -> memref<8192xf32, #tpu.memory_space<hbm>>
    tpu.wait_dma2 semaphore(%arg14 : memref<!tpu.dma_semaphore, #tpu.memory_space<semaphore_mem>>) src(%arg10 : memref<8192xf32, #tpu.memory_space<vmem>>) dst(%dma_wait3A_47 : memref<8192xf32, #tpu.memory_space<hbm>>)
    return
  }
}

</mosaic_0001>

<sc_bundles>
// kernel: kernel.3.cloned.1.call-start
scs
__scs_entry_jumppad:
0x0: {  	(pc) =	sbr.rel $0x88, $3  }
0x1: {  	(tag) =	ssettag $0x0;
	lr =	simm.s32 $0x1  }
0x2: {  	[smem:$0x3F9F] =	sst lr;
	_ =	strace $0xD0000000  }
0x3: {  	_ = 	snop  }
0x4: {  	_ = 	snop  }
0x5: {  	_ = 	snop  }
0x6: {  	_ = 	snop  }
0x7: {  	_ = 	snop  }
__scs_overlays_trampoline_lowered:
0x8: {  	[smem:$0x3FAE] =	sst s0  }
0x9: {  	[smem:$0x3FAF] =	sst s1  }
0xa: {  	[smem:$0x3FB0] =	sst s2  }
0xb: {  	[smem:$0x3FB1] =	sst s3  }
0xc: {  	[smem:$0x3FB2] =	sst s4  }
0xd: {  	[smem:$0x3FB3] =	sst s5  }
0xe: {  	[smem:$0x3FB4] =	sst s6  }
0xf: {  	[smem:$0x3FB5] =	sst s7  }
0x10: {  	[smem:$0x3FB6] =	sst s8  }
0x11: {  	[smem:$0x3FB7] =	sst s9;
	s0 =	simm.s32 @!p0 $0x0  }
0x12: {  	s1 =	sld [smem:$0x3F9D];
	s0 =	simm.s32 @p0 $0x1  }
0x13: {  	[smem:$0x3FB8] =	sst s0;
	s0 =	simm.s32 @!p1 $0x0  }
0x14: {  	s2 =	sld [smem:$0x3F9C];
	s0 =	simm.s32 @p1 $0x1  }
0x15: {  	[smem:$0x3FB9] =	sst s0;
	s0 =	simm.s32 @!p2 $0x0  }
0x16: {  	s3 =	sld [smem:$0x3FDB];
	s0 =	simm.s32 @p2 $0x1  }
0x17: {  	s4 =	simm.s32 $0x1BF5;
	[smem:$0x3FBB] =	sst s0  }
0x18: {  	s0 =	sld [smem:$0x3F9E];
	_ =	swait.ge [sflag:s4], $0x0  }
0x19: {  	s7 =	sld [smem:$0x3F9F]  }
0x1a: {  	s8 =	sadd.s32 $0xFFFFE003, lr  }
0x1b: {  	s9 =	sadd.s32 $0xFFFFFEF7, lr;
	s5 =	simm.s32 $0xFFFFFFFF;
	p2 =	slt.u32 s8, $0xFFFFF086  }
0x1c: {  	p1 =	slt.u32 s9, $0xF7A;
	s5 =	simm.s32 @!p2 $0x0  }
0x1d: {  	s5 =	simm.s32 @p1 $0x1;
	p0 =	seq.s32 s7, s2  }
0x1e: {  	s7 =	smul.u32 @!p0 $0xF7A, s2;
	p2 =	seq.s32 @!p0 s5, $0x0  }
0x1f: {  	s9 =	smul.u32 $0xF7A, s1;
	s8 =	simm.s32 @!p0 $0x1BF5;
	p2 =	por !p2, p0  }
0x20: {  	[sflag:s8] =	ssyncset.s32 @!p0 $0xFFFFF086;
	s6 =	sadd.s32 @!p0 s3, s7;
	s7 =	simm.s32 @!p0 $0x108  }
0x21: {  	s3 =	sadd.s32 s3, s9;
	s6 =	sadd.s32 @!p0 $0x88, s6;
	s7 =	simm.s32 @p2 $0x1082  }
0x22: {  	[simem:s7], [sflag:s8] =	dma.local @!p0 [hbm:s6], $0xF7A  }
0x23: {  	s9 =	sor.u32 $0xD0000000, s2;
	s6 =	simm.s32 $0x108;
	_ =	swait.ge @!p0 [sflag:s8], $0x0  }
0x24: {  	s3 =	sadd.s32 $0x88, s3;
	s6 =	simm.s32 @!p1 $0x1082;
	[sflag:s4] =	ssyncset.s32 $0xFFFFF086  }
0x25: {  	[simem:s6], [sflag:s4] =	dma.local [hbm:s3], $0xF7A  }
0x26: {  	[smem:$0x3F9F] =	sst s1;
	(tag) =	ssettag s2;
	_ =	strace s9  }
0x27: {  	s1 =	sld [smem:$0x3FAF]  }
0x28: {  	s2 =	sld [smem:$0x3FB0]  }
0x29: {  	s4 =	sld [smem:$0x3FB2]  }
0x2a: {  	p0 =	seq.s32 s5, $0x0;
	s5 =	sld [smem:$0x3FB3]  }
0x2b: {  	s6 =	sld [smem:$0x3FB4]  }
0x2c: {  	s7 =	sld [smem:$0x3FB5]  }
0x2d: {  	s3 =	simm.s32 $0x108;
	s8 =	sld [smem:$0x3FB6]  }
0x2e: {  	s3 =	simm.s32 @!p0 $0x1082;
	s9 =	sld [smem:$0x3FB7]  }
0x2f: {  	lr =	sadd.s32 s0, s3;
	s0 =	sld [smem:$0x3FAE]  }
0x30: {  	s3 =	sld [smem:$0x3FB1]  }
0x31: {  	[smem:$0x3FBA] =	sst s10  }
0x32: {  	s10 =	sld [smem:$0x3FB8];
	_ =	sdelay $0x3  }
0x33: {  	p0 =	seq.s32 s10, $0x1;
	s10 =	sld [smem:$0x3FBA];
	_ =	sdelay $0x3  }
0x34: {  	[smem:$0x3FBA] =	sst s10  }
0x35: {  	s10 =	sld [smem:$0x3FB9];
	_ =	sdelay $0x3  }
0x36: {  	p1 =	seq.s32 s10, $0x1;
	s10 =	sld [smem:$0x3FBA];
	_ =	sdelay $0x3  }
0x37: {  	[smem:$0x3FBA] =	sst s10  }
0x38: {  	s10 =	sld [smem:$0x3FBB]  }
0x39: {  	_ = 	snop;
	(pc) =	sbr.ind lr, $3  }
0x3a: {  	_ = 	snop  }
0x3b: {  	_ = 	snop  }
0x3c: {  	p2 =	seq.s32 s10, $0x1;
	s10 =	sld [smem:$0x3FBA]  }
0x3d: {  	_ =	shalt  }
0x3e: {  	_ =	shalt  }
0x3f: {  	_ =	shalt  }
0x40: {  	_ =	shalt  }
0x41: {  	_ =	shalt  }
0x42: {  	_ =	shalt  }
0x43: {  	_ =	shalt  }
0x44: {  	_ =	shalt  }
0x45: {  	_ =	shalt  }
0x46: {  	_ =	shalt  }
0x47: {  	_ =	shalt  }
0x48: {  	_ =	shalt  }
0x49: {  	_ =	shalt  }
0x4a: {  	_ =	shalt  }
0x4b: {  	_ =	shalt  }
0x4c: {  	_ =	shalt  }
0x4d: {  	_ =	shalt  }
0x4e: {  	_ =	shalt  }
0x4f: {  	_ =	shalt  }
0x50: {  	_ =	shalt  }
0x51: {  	_ =	shalt  }
0x52: {  	_ =	shalt  }
0x53: {  	_ =	shalt  }
0x54: {  	_ =	shalt  }
0x55: {  	_ =	shalt  }
0x56: {  	_ =	shalt  }
0x57: {  	_ =	shalt  }
0x58: {  	_ =	shalt  }
0x59: {  	_ =	shalt  }
0x5a: {  	_ =	shalt  }
0x5b: {  	_ =	shalt  }
0x5c: {  	_ =	shalt  }
0x5d: {  	_ =	shalt  }
0x5e: {  	_ =	shalt  }
0x5f: {  	_ =	shalt  }
0x60: {  	_ =	shalt  }
0x61: {  	_ =	shalt  }
0x62: {  	_ =	shalt  }
0x63: {  	_ =	shalt  }
0x64: {  	_ =	shalt  }
0x65: {  	_ =	shalt  }
0x66: {  	_ =	shalt  }
0x67: {  	_ =	shalt  }
0x68: {  	_ =	shalt  }
0x69: {  	_ =	shalt  }
0x6a: {  	_ =	shalt  }
0x6b: {  	_ =	shalt  }
0x6c: {  	_ =	shalt  }
0x6d: {  	_ =	shalt  }
0x6e: {  	_ =	shalt  }
0x6f: {  	_ =	shalt  }
0x70: {  	_ =	shalt  }
0x71: {  	_ =	shalt  }
0x72: {  	_ =	shalt  }
0x73: {  	_ =	shalt  }
0x74: {  	_ =	shalt  }
0x75: {  	_ =	shalt  }
0x76: {  	_ =	shalt  }
0x77: {  	_ =	shalt  }
0x78: {  	_ =	shalt  }
0x79: {  	_ =	shalt  }
0x7a: {  	_ =	shalt  }
0x7b: {  	_ =	shalt  }
0x7c: {  	_ =	shalt  }
0x7d: {  	_ =	shalt  }
0x7e: {  	_ =	shalt  }
0x7f: {  	_ =	shalt  }
0x80: {  	_ =	shalt  }
0x81: {  	_ =	shalt  }
0x82: {  	_ =	shalt  }
0x83: {  	_ =	shalt  }
0x84: {  	_ =	shalt  }
0x85: {  	_ =	shalt  }
0x86: {  	_ =	shalt  }
0x87: {  	_ =	shalt  }
.Lfunc_end0:
.L_simem_size_0:
called_computation_lowered:
.L_overlay_start_0:
0x88: {  	s2 =	sld [smem:$0x3FD9]  }
0x89: {  	s3 =	sld [smem:$0x3FFE];
	_ =	sdelay $0x1  }
0x8a: {  	s1 =	srdreg.scid  }
0x8b: {  	s0 =	sand.u32 $0x1, s1  }
0x8c: {  	s17 =	sshll.u32 s0, $0xA;
	s2 =	sadd.s32 s3, s2  }
0x8d: {  	s2 =	sadd.s32 s2, s17  }
0x8e: {  	[smem:$0x3FC6] =	sst s2  }
0x8f: {  	_ = 	snop  }
0x90: {  	s2 =	sld [smem:$0x3FC9]  }
0x91: {  	s18 =	sld [smem:$0x3FC8]  }
0x92: {  	s4 =	sld [smem:$0x3FD0];
	(tm) =	ssettm $0x1  }
0x93: {  	s5 =	sld [smem:$0x3FFB];
	_ =	sdelay $0x3  }
0x94: {  	_ =	strace s5  }
0x95: {  	s5 =	sld [smem:$0x3FFC];
	_ =	sdelay $0x3  }
0x96: {  	_ =	strace s5  }
0x97: {  	s5 =	sld [smem:$0x3FFD];
	_ =	sdelay $0x3  }
0x98: {  	_ =	strace s5  }
0x99: {  	_ =	strace $0x8FFFFFFF  }
0x9a: {  	s19 =	sld [smem:$0x3FDB];
	_ =	sdelay $0x1  }
0x9b: {  	s6 =	simm.s32 $_scs_section_size  }
0x9c: {  	s7 =	simm.s32 $_size__tile_overlayer_lowered;
	s8 =	simm.s32 $_tile_overlayer_lowered  }
0x9d: {  	s22 =	simm.s32 $0x1BFF;
	s21 =	sshll.u32 s8, $0x1;
	s5 =	sadd.s32 s6, s19  }
0x9e: {  	s9 =	simm.s32 $0x0;
	s20 =	sshll.u32 s7, $0x1;
	s7 =	sadd.s32 s21, s5  }
0x9f: {  	[timem:s9], [sflag:s22] =	dma.local [hbm:s7], s20  }
0xa0: {  	_ =	swait.ge [sflag:s22], s20  }
0xa1: {  	s6 =	ssub.s32 $0x0, s20;
	[sflag:s22] =	ssyncset.done $0x0  }
0xa2: {  	[sflag:s22] =	ssyncadd.s32 s6;
	_ =	sdelay $0x1  }
0xa3: {  	s23 =	simm.s32 $0x1B8B  }
0xa4: {  	_ =	swait.ge [sflag:s23], $0x1  }
0xa5: {  	[sflag:s23] =	ssyncset.done $0x0  }
0xa6: {  	s25 =	simm.s32 $0x1B8E;
	s24 =	sld [smem:$0x3FFE];
	[sflag:s23] =	ssyncadd.s32 $0xFFFFFFFF  }
0xa7: {  	s26 =	simm.s32 $execute0_lowered;
	[smem:$0x3FD2] =	sst s25  }
0xa8: {  	s7 =	sshll.u32 s26, $0x1;
	_ =	strace $0x80000046;
	[dreg:$0x1] =	wrdreg $0xFFFFFFFF  }
0xa9: {  	s28 =	simm.s32 $_size_execute0_lowered;
	s5 =	sadd.s32 s5, s7;
	[dreg:$0x0] =	wrdreg $0x0  }
0xaa: {  	s7 =	sshll.u32 s28, $0x1;
	[dreg:$0x2] =	wrdreg s5  }
0xab: {  	[dreg:$0x3] =	wrdreg s7  }
0xac: {  	[dreg:$0x4] =	wrdreg $0xC0  }
0xad: {  	_ =	task [dreg:s9], $0x5FFFF  }
0xae: {  	[dreg:$0x1] =	wrdreg $0xFFFFFFFF  }
0xaf: {  	[dreg:$0x0] =	wrdreg $0x60  }
0xb0: {  	[dreg:$0x2] =	wrdreg s2  }
0xb1: {  	[dreg:$0x3] =	wrdreg s18  }
0xb2: {  	[dreg:$0x4] =	wrdreg s24  }
0xb3: {  	[dreg:$0x5] =	wrdreg s4  }
0xb4: {  	[dreg:$0x6] =	wrdreg $0x9  }
0xb5: {  	_ =	task.clear_ibuf [dreg:s9], $0x7FFFF;
	_ =	strace $0x90000046  }
0xb6: {  	s29 =	simm.s32 $0x9;
	_ =	strace $0x80000048  }
0xb7: {  	_ =	swait.ge [sflag:s29], $0x1  }
0xb8: {  	[sflag:s29] =	ssyncadd.s32 $0xFFFFFFFF  }
0xb9: {  	_ =	strace $0x90000048  }
0xba: {  	_ =	sfence  }
0xbb: {  	s30 =	sld [smem:$0x0];
	_ =	sdelay $0x2  }
0xbc: {  	s31 =	sshll.u32 s1, $0xD;
	s1 =	sshrl.u32 s1, $0x2  }
0xbd: {  	s3 =	sand.u32 $0x4000, s31;
	s1 =	sadd.s32 s1, s30  }
0xbe: {  	s0 =	sor.u32 s3, s0;
	s1 =	sshll.u32 s1, $0x11  }
0xbf: {  	s0 =	sor.u32 s1, s0  }
0xc0: {  	s0 =	sadd.s32 $0x8F2B, s0  }
0xc1: {  	[sflag:s0] =	ssyncadd.remote.s32 $0x1  }
0xc2: {  	_ =	sfence.sel $0xFFFF  }
0xc3: {  	[dreg:$0x0] =	wrdreg $0xFFFFFFFF;
	(pc) =	sbr.abs _section_cstart, $3  }
0xc4: {  	[dreg:$0x1] =	wrdreg $0xFFFFFFFF  }
0xc5: {  	_ =	task.clear_ibuf [dreg:s9], $0x2FFFF;
	_ =	strace $0x9FFFFFFF  }
0xc6: {  	(tm) =	ssettm $0x7FFFFFFF  }
0xc7: {  	_ =	shalt  }
tec
execute0_lowered:
.L_overlay_start_1:
0x0: {  	(tag) =	ssettag $0x1  }
0x1: {  	s1 =	rddreg [dreg:$0x0]  }
0x2: {  	s2 =	rddreg [dreg:$0x1]  }
0x3: {  	s0 =	srdreg.scid;
	s4 =	stileid.u32  }
0x4: {  	s3 =	rddreg [dreg:$0x2];
	s14 =	simm.s32 $0x80;
	s15 =	simm.s32 $0x400  }
0x5: {  	s16 =	simm.s32 $0xC400;
	s18 =	simm.s32 $0x1;
	s19 =	simm.s32 $0x18800  }
0x6: {  	s20 =	simm.s32 $0x5;
	s21 =	simm.s32 $0x2;
	s22 =	simm.s32 $0x1A800  }
0x7: {  	s23 =	simm.s32 $0x1C800;
	s0 =	sand.u32 $0x1, s0;
	s5 =	sshll.u32 s4, $0x1  }
0x8: {  	s24 =	simm.s32 $0x3;
	s25 =	simm.s32 $0x4;
	s7 =	sor.u32 s0, s5  }
0x9: {  	s26 =	simm.s32 $0x0;
	s4 =	rddreg [dreg:$0x3];
	s6 =	smul.u32 $0x1A, s7  }
0xa: {  	s11 =	sadd.s32 $0x2000, s1;
	s5 =	simm.s32 $0x0;
	s0 =	ssub.s32 $0x2, s0  }
0xb: {  	[smem:$0x7FF] =	sst s5;
	s9 =	sshll.u32 s7, $0x8;
	s8 =	sshrl.u32 s6, $0x3  }
0xc: {  	s9 =	sand.u32 $0x300, s9;
	s10 =	smul.u32 $0xC3800, s8;
	s8 =	sshll.u32 s8, $0xB  }
0xd: {  	s7 =	sadd.s32 $0x400, s3;
	s28 =	sshrl.u32 s0, $0x1;
	s8 =	sor.u32 s9, s8  }
0xe: {  	_ =	strace $0x80000047;
	s29 =	sor.u32 s9, s10;
	s8 =	sshrl.u32 s8, $0x3  }
0xf: {  	s10 =	sshrl.u32 s29, $0x3;
	s3 =	sadd.s32 $0x61800, s29;
	s31 =	sadd.s32 s7, s8  }
0x10: {  	s30 =	sadd.s32 s2, s10;
	s3 =	sshrl.u32 s3, $0x3;
	[dreg:$0x7] =	wrdreg s31  }
0x11: {  	s0 =	ssub.s32 s0, s28;
	[dreg:$0x5] =	wrdreg s30;
	s3 =	sadd.s32 s2, s3  }
0x12: {  	s12 =	sadd.s32 $0x2000, s4;
	s13 =	smax.u32 s0, $0x1;
	[dreg:$0x6] =	wrdreg s3  }
.LBB2_1:
0x13: {  	s0 =	rddreg [dreg:$0x5]  }
0x14: {  	[tilespmem:s5], [sflag:$0x1] =	stream.strided.gather [hbm4b:s0+s14], $0xC300, s15, s14, $0x38;
	[tilespmem:$0x1E800] =	vst v63  }
0x15: {  	s29 =	rddreg [dreg:$0x6]  }
0x16: {  	[tilespmem:s16], [sflag:$0x2] =	stream.strided.gather [hbm4b:s29+s14], $0xC300, s15, s14, $0x38;
	[tilespmem:$0x1E800] =	vst v63  }
0x17: {  	s31 =	rddreg [dreg:$0x7];
	s3 =	simm.s32 $0x18700;
	s30 =	simm.s32 $0x0  }
0x18: {  	[tilespmem:s3], [sflag:$0x2] =	stream.strided.gather [hbm4b:s31+s14], $0x100, s15, s14, $0x38;
	[tilespmem:$0x1E800] =	vst v63  }
.LBB2_2:
0x19: {  	p0 =	seq.s32 s30, $0x0  }
0x1a: {  	s0 =	simm.s32 @!p0 $0x3  }
0x1b: {  	_ =	swait.ge @!p0 [sflag:s0], $0x2000  }
0x1c: {  	[sflag:s0] =	ssyncset.done @!p0 $0x0  }
0x1d: {  	[sflag:s0] =	ssyncadd.s32 @!p0 $0xFFFFE000;
	s0 =	simm.s32 @!p0 $0x4  }
0x1e: {  	_ =	swait.ge @!p0 [sflag:s0], $0x2000  }
0x1f: {  	s28 =	sadd.s32 s6, s30;
	[sflag:s0] =	ssyncset.done @!p0 $0x0  }
0x20: {  	s31 =	sshll.u32 s28, $0x6;
	s3 =	sshrl.u32 s28, $0x1;
	[sflag:s0] =	ssyncadd.s32 @!p0 $0xFFFFE000  }
0x21: {  	s3 =	sand.u32 $0x70, s3;
	s0 =	sand.u32 $0xFFFC000, s31;
	_ =	swait.ge [sflag:s18], $0xC300  }
0x22: {  	s0 =	sor.u32 s3, s0;
	[sflag:s18] =	ssyncset.done $0x0  }
0x23: {  	s29 =	sadd.s32 s1, s0;
	[sflag:s18] =	ssyncadd.s32 $0xFFFF3D00  }
0x24: {  	[tilespmem:s19], [sflag:$0x5] =	stream.strided.gather [hbm4b:s29+s14], $0x2000, s15, s14, $0x38;
	[tilespmem:$0x1E800] =	vst v63  }
0x25: {  	_ =	swait.ge [sflag:s20], $0x2000  }
0x26: {  	[sflag:s20] =	ssyncset.done $0x0  }
0x27: {  	s3 =	simm.s32 $0x0;
	[sflag:s20] =	ssyncadd.s32 $0xFFFFE000  }
0x28: {  	v0 =	vld [tilespmem:s3+$0x18800];
	_ =	sdelay $0x4  }
0x29: {  	vm0 =	vlt.u32 v0, $0xC300  }
0x2a: {  	v0 =	vnsel vm0, $0x0, v0  }
0x2b: {  	v1 =	vld [tilespmem:s3+$0x18810];
	_ =	sdelay $0x2  }
0x2c: {  	v2 =	vld [tilespmem:s3+$0x1A800]  }
0x2d: {  	v0 =	vld.idx.msk [tilespmem:v0+s5+$0x0], $0xffff  }
0x2e: {  	vm1 =	vlt.u32 v1, $0xC300  }
0x2f: {  	v1 =	vnsel vm1, $0x0, v1;
	_ =	sdelay $0x1  }
0x30: {  	v3 =	vld [tilespmem:s3+$0x18820]  }
0x31: {  	v0 =	vsel vm0, v0, v2  }
0x32: {  	[tilespmem:s3+$0x1A800] =	vst v0  }
0x33: {  	v0 =	vld.idx.msk [tilespmem:v1+s5+$0x0], $0xffff  }
0x34: {  	v1 =	vld [tilespmem:s3+$0x1A810]  }
0x35: {  	vm0 =	vlt.u32 v3, $0xC300  }
0x36: {  	v2 =	vnsel vm0, $0x0, v3  }
0x37: {  	v3 =	vld [tilespmem:s3+$0x18830];
	_ =	sdelay $0x1  }
0x38: {  	v0 =	vsel vm1, v0, v1  }
0x39: {  	v1 =	vld [tilespmem:s3+$0x1A820];
	[tilespmem:s3+$0x1A810] =	vst v0  }
0x3a: {  	v0 =	vld.idx.msk [tilespmem:v2+s5+$0x0], $0xffff  }
0x3b: {  	vm1 =	vlt.u32 v3, $0xC300  }
0x3c: {  	v2 =	vnsel vm1, $0x0, v3  }
0x3d: {  	v3 =	vld [tilespmem:s3+$0x18840];
	_ =	sdelay $0x1  }
0x3e: {  	v0 =	vsel vm0, v0, v1  }
0x3f: {  	v1 =	vld [tilespmem:s3+$0x1A830];
	[tilespmem:s3+$0x1A820] =	vst v0  }
0x40: {  	v0 =	vld.idx.msk [tilespmem:v2+s5+$0x0], $0xffff  }
0x41: {  	vm0 =	vlt.u32 v3, $0xC300  }
0x42: {  	v2 =	vnsel vm0, $0x0, v3  }
0x43: {  	v3 =	vld [tilespmem:s3+$0x18850];
	_ =	sdelay $0x1  }
0x44: {  	v0 =	vsel vm1, v0, v1  }
0x45: {  	v1 =	vld [tilespmem:s3+$0x1A840];
	[tilespmem:s3+$0x1A830] =	vst v0  }
0x46: {  	v0 =	vld.idx.msk [tilespmem:v2+s5+$0x0], $0xffff  }
0x47: {  	vm2 =	vlt.u32 v3, $0xC300  }
0x48: {  	v2 =	vnsel vm2, $0x0, v3  }
0x49: {  	v3 =	vld [tilespmem:s3+$0x18860];
	_ =	sdelay $0x1  }
0x4a: {  	v0 =	vsel vm0, v0, v1  }
0x4b: {  	v1 =	vld [tilespmem:s3+$0x1A850];
	[tilespmem:s3+$0x1A840] =	vst v0  }
0x4c: {  	v0 =	vld.idx.msk [tilespmem:v2+s5+$0x0], $0xffff  }
0x4d: {  	vm1 =	vlt.u32 v3, $0xC300  }
0x4e: {  	v2 =	vnsel vm1, $0x0, v3;
	_ =	sdelay $0x1  }
0x4f: {  	v3 =	vld [tilespmem:s3+$0x18870]  }
0x50: {  	v0 =	vsel vm2, v0, v1  }
0x51: {  	[tilespmem:s3+$0x1A850] =	vst v0  }
0x52: {  	v0 =	vld.idx.msk [tilespmem:v2+s5+$0x0], $0xffff  }
0x53: {  	v2 =	vld [tilespmem:s3+$0x1A860]  }
0x54: {  	vm0 =	vlt.u32 v3, $0xC300  }
0x55: {  	v1 =	vnsel vm0, $0x0, v3  }
0x56: {  	s9 =	simm.s32 $0x80;
	s8 =	simm.s32 $0x400  }
.LBB2_3:
0x57: {  	p0 =	sne.s32 s8, $0x7E00;
	v3 =	vld [tilespmem:s9+$0x18800]  }
0x58: {  	v0 =	vsel vm1, v0, v2  }
0x59: {  	[tilespmem:s3+$0x1A860] =	vst v0  }
0x5a: {  	v0 =	vld.idx.msk [tilespmem:v1+s5+$0x0], $0xffff  }
0x5b: {  	v1 =	vld [tilespmem:s3+$0x1A870]  }
0x5c: {  	vm1 =	vlt.u32 v3, $0xC300  }
0x5d: {  	v2 =	vnsel vm1, $0x0, v3;
	_ =	sdelay $0x1  }
0x5e: {  	v3 =	vld [tilespmem:s9+$0x18810]  }
0x5f: {  	v0 =	vsel vm0, v0, v1  }
0x60: {  	[tilespmem:s3+$0x1A870] =	vst v0;
	s3 =	smov.u32 s9  }
0x61: {  	v0 =	vld.idx.msk [tilespmem:v2+s5+$0x0], $0xffff  }
0x62: {  	v1 =	vld [tilespmem:s3+$0x1A800]  }
0x63: {  	vm0 =	vlt.u32 v3, $0xC300  }
0x64: {  	v2 =	vnsel vm0, $0x0, v3;
	_ =	sdelay $0x1  }
0x65: {  	v3 =	vld [tilespmem:s3+$0x18820]  }
0x66: {  	v0 =	vsel vm1, v0, v1  }
0x67: {  	[tilespmem:s3+$0x1A800] =	vst v0  }
0x68: {  	v0 =	vld.idx.msk [tilespmem:v2+s5+$0x0], $0xffff  }
0x69: {  	v1 =	vld [tilespmem:s3+$0x1A810]  }
0x6a: {  	vm1 =	vlt.u32 v3, $0xC300  }
0x6b: {  	v2 =	vnsel vm1, $0x0, v3;
	_ =	sdelay $0x1  }
0x6c: {  	v3 =	vld [tilespmem:s3+$0x18830]  }
0x6d: {  	v0 =	vsel vm0, v0, v1  }
0x6e: {  	[tilespmem:s3+$0x1A810] =	vst v0  }
0x6f: {  	v0 =	vld.idx.msk [tilespmem:v2+s5+$0x0], $0xffff  }
0x70: {  	v1 =	vld [tilespmem:s3+$0x1A820]  }
0x71: {  	vm0 =	vlt.u32 v3, $0xC300  }
0x72: {  	v2 =	vnsel vm0, $0x0, v3;
	_ =	sdelay $0x1  }
0x73: {  	v3 =	vld [tilespmem:s3+$0x18840]  }
0x74: {  	v0 =	vsel vm1, v0, v1  }
0x75: {  	[tilespmem:s3+$0x1A820] =	vst v0  }
0x76: {  	v0 =	vld.idx.msk [tilespmem:v2+s5+$0x0], $0xffff  }
0x77: {  	v1 =	vld [tilespmem:s3+$0x1A830]  }
0x78: {  	vm1 =	vlt.u32 v3, $0xC300  }
0x79: {  	v2 =	vnsel vm1, $0x0, v3;
	_ =	sdelay $0x1  }
0x7a: {  	v3 =	vld [tilespmem:s3+$0x18850]  }
0x7b: {  	v0 =	vsel vm0, v0, v1  }
0x7c: {  	[tilespmem:s3+$0x1A830] =	vst v0  }
0x7d: {  	v0 =	vld.idx.msk [tilespmem:v2+s5+$0x0], $0xffff  }
0x7e: {  	v1 =	vld [tilespmem:s3+$0x1A840]  }
0x7f: {  	vm0 =	vlt.u32 v3, $0xC300  }
0x80: {  	v2 =	vnsel vm0, $0x0, v3;
	_ =	sdelay $0x1  }
0x81: {  	v3 =	vld [tilespmem:s3+$0x18860]  }
0x82: {  	v0 =	vsel vm1, v0, v1  }
0x83: {  	[tilespmem:s3+$0x1A840] =	vst v0  }
0x84: {  	v0 =	vld.idx.msk [tilespmem:v2+s5+$0x0], $0xffff  }
0x85: {  	v1 =	vld [tilespmem:s3+$0x1A850]  }
0x86: {  	vm1 =	vlt.u32 v3, $0xC300  }
0x87: {  	v2 =	vnsel vm1, $0x0, v3;
	_ =	sdelay $0x1  }
0x88: {  	v3 =	vld [tilespmem:s3+$0x18870]  }
0x89: {  	v0 =	vsel vm0, v0, v1  }
0x8a: {  	[tilespmem:s3+$0x1A850] =	vst v0  }
.Ltmp0:
0x8b: {  	v0 =	vld.idx.msk [tilespmem:v2+s5+$0x0], $0xffff;
	(pc) =	sbr.rel @p0 .LBB2_3-.Ltmp0, $4  }
0x8c: {  	v2 =	vld [tilespmem:s3+$0x1A860]  }
0x8d: {  	vm0 =	vlt.u32 v3, $0xC300  }
0x8e: {  	v1 =	vnsel vm0, $0x0, v3  }
0x8f: {  	s9 =	sshra.s32 s8, $0x2;
	s8 =	sadd.s32 $0x200, s8  }
0x90: {  	_ =	sdelay $0x1  }
0x91: {  	v3 =	vld [tilespmem:s9+$0x18800];
	v0 =	vsel vm1, v0, v2  }
0x92: {  	[tilespmem:s3+$0x1A860] =	vst v0  }
0x93: {  	v0 =	vld.idx.msk [tilespmem:v1+s5+$0x0], $0xffff  }
0x94: {  	v1 =	vld [tilespmem:s3+$0x1A870];
	_ =	sdelay $0x1  }
0x95: {  	vm1 =	vlt.u32 v3, $0xC300  }
0x96: {  	v2 =	vnsel vm1, $0x0, v3  }
0x97: {  	v3 =	vld [tilespmem:s9+$0x18810]  }
0x98: {  	v0 =	vsel vm0, v0, v1  }
0x99: {  	[tilespmem:s3+$0x1A870] =	vst v0  }
0x9a: {  	v1 =	vld [tilespmem:s9+$0x1A800]  }
0x9b: {  	v0 =	vld.idx.msk [tilespmem:v2+s5+$0x0], $0xffff  }
0x9c: {  	vm0 =	vlt.u32 v3, $0xC300  }
0x9d: {  	v2 =	vnsel vm0, $0x0, v3  }
0x9e: {  	v3 =	vld [tilespmem:s9+$0x18820];
	_ =	sdelay $0x1  }
0x9f: {  	v0 =	vsel vm1, v0, v1  }
0xa0: {  	v1 =	vld [tilespmem:s9+$0x1A810];
	[tilespmem:s9+$0x1A800] =	vst v0  }
0xa1: {  	v0 =	vld.idx.msk [tilespmem:v2+s5+$0x0], $0xffff  }
0xa2: {  	vm1 =	vlt.u32 v3, $0xC300  }
0xa3: {  	v2 =	vnsel vm1, $0x0, v3  }
0xa4: {  	v3 =	vld [tilespmem:s9+$0x18830];
	_ =	sdelay $0x1  }
0xa5: {  	v0 =	vsel vm0, v0, v1  }
0xa6: {  	v1 =	vld [tilespmem:s9+$0x1A820];
	[tilespmem:s9+$0x1A810] =	vst v0  }
0xa7: {  	v0 =	vld.idx.msk [tilespmem:v2+s5+$0x0], $0xffff  }
0xa8: {  	vm0 =	vlt.u32 v3, $0xC300  }
0xa9: {  	v2 =	vnsel vm0, $0x0, v3  }
0xaa: {  	v3 =	vld [tilespmem:s9+$0x18840];
	_ =	sdelay $0x1  }
0xab: {  	v0 =	vsel vm1, v0, v1  }
0xac: {  	v1 =	vld [tilespmem:s9+$0x1A830];
	[tilespmem:s9+$0x1A820] =	vst v0  }
0xad: {  	v0 =	vld.idx.msk [tilespmem:v2+s5+$0x0], $0xffff  }
0xae: {  	vm1 =	vlt.u32 v3, $0xC300  }
0xaf: {  	v2 =	vnsel vm1, $0x0, v3  }
0xb0: {  	v3 =	vld [tilespmem:s9+$0x18850];
	_ =	sdelay $0x1  }
0xb1: {  	v0 =	vsel vm0, v0, v1  }
0xb2: {  	v1 =	vld [tilespmem:s9+$0x1A840];
	[tilespmem:s9+$0x1A830] =	vst v0  }
0xb3: {  	v0 =	vld.idx.msk [tilespmem:v2+s5+$0x0], $0xffff  }
0xb4: {  	vm0 =	vlt.u32 v3, $0xC300  }
0xb5: {  	v2 =	vnsel vm0, $0x0, v3  }
0xb6: {  	v3 =	vld [tilespmem:s9+$0x18860];
	_ =	sdelay $0x1  }
0xb7: {  	v0 =	vsel vm1, v0, v1  }
0xb8: {  	v1 =	vld [tilespmem:s9+$0x1A850];
	[tilespmem:s9+$0x1A840] =	vst v0  }
0xb9: {  	v0 =	vld.idx.msk [tilespmem:v2+s5+$0x0], $0xffff  }
0xba: {  	vm1 =	vlt.u32 v3, $0xC300  }
0xbb: {  	v2 =	vnsel vm1, $0x0, v3  }
0xbc: {  	v3 =	vld [tilespmem:s9+$0x18870];
	_ =	sdelay $0x1  }
0xbd: {  	v0 =	vsel vm0, v0, v1  }
0xbe: {  	v1 =	vld [tilespmem:s9+$0x1A860];
	[tilespmem:s9+$0x1A850] =	vst v0  }
0xbf: {  	v0 =	vld.idx.msk [tilespmem:v2+s5+$0x0], $0xffff  }
0xc0: {  	vm0 =	vlt.u32 v3, $0xC300  }
0xc1: {  	v2 =	vnsel vm0, $0x0, v3;
	_ =	sdelay $0x2  }
0xc2: {  	v0 =	vsel vm1, v0, v1  }
0xc3: {  	v1 =	vld [tilespmem:s9+$0x1A870];
	[tilespmem:s9+$0x1A860] =	vst v0  }
0xc4: {  	v0 =	vld.idx.msk [tilespmem:v2+s5+$0x0], $0xffff;
	_ =	sdelay $0x4  }
0xc5: {  	v0 =	vsel vm0, v0, v1  }
0xc6: {  	s0 =	sadd.s32 s0, s11;
	[tilespmem:s9+$0x1A870] =	vst v0  }
0xc7: {  	[tilespmem:s19], [sflag:$0x5] =	stream.strided.gather [hbm4b:s0+s14], $0x2000, s15, s14, $0x38;
	[tilespmem:$0x1E800] =	vst v63  }
0xc8: {  	_ =	swait.ge [sflag:s20], $0x2000  }
0xc9: {  	[sflag:s20] =	ssyncset.done $0x0  }
0xca: {  	s0 =	simm.s32 $0x0;
	[sflag:s20] =	ssyncadd.s32 $0xFFFFE000  }
0xcb: {  	v0 =	vld [tilespmem:s0+$0x18800];
	_ =	sdelay $0x4  }
0xcc: {  	vm0 =	vlt.u32 v0, $0xC300  }
0xcd: {  	v0 =	vnsel vm0, $0x0, v0  }
0xce: {  	v1 =	vld [tilespmem:s0+$0x18810];
	_ =	sdelay $0x2  }
0xcf: {  	v2 =	vld [tilespmem:s0+$0x1C800]  }
0xd0: {  	v0 =	vld.idx.msk [tilespmem:v0+s5+$0x0], $0xffff  }
0xd1: {  	vm1 =	vlt.u32 v1, $0xC300  }
0xd2: {  	v1 =	vnsel vm1, $0x0, v1;
	_ =	sdelay $0x1  }
0xd3: {  	v3 =	vld [tilespmem:s0+$0x18820]  }
0xd4: {  	v0 =	vsel vm0, v0, v2  }
0xd5: {  	[tilespmem:s0+$0x1C800] =	vst v0  }
0xd6: {  	v0 =	vld.idx.msk [tilespmem:v1+s5+$0x0], $0xffff  }
0xd7: {  	v1 =	vld [tilespmem:s0+$0x1C810]  }
0xd8: {  	vm0 =	vlt.u32 v3, $0xC300  }
0xd9: {  	v2 =	vnsel vm0, $0x0, v3  }
0xda: {  	v3 =	vld [tilespmem:s0+$0x18830];
	_ =	sdelay $0x1  }
0xdb: {  	v0 =	vsel vm1, v0, v1  }
0xdc: {  	v1 =	vld [tilespmem:s0+$0x1C820];
	[tilespmem:s0+$0x1C810] =	vst v0  }
0xdd: {  	v0 =	vld.idx.msk [tilespmem:v2+s5+$0x0], $0xffff  }
0xde: {  	vm1 =	vlt.u32 v3, $0xC300  }
0xdf: {  	v2 =	vnsel vm1, $0x0, v3  }
0xe0: {  	v3 =	vld [tilespmem:s0+$0x18840];
	_ =	sdelay $0x1  }
0xe1: {  	v0 =	vsel vm0, v0, v1  }
0xe2: {  	v1 =	vld [tilespmem:s0+$0x1C830];
	[tilespmem:s0+$0x1C820] =	vst v0  }
0xe3: {  	v0 =	vld.idx.msk [tilespmem:v2+s5+$0x0], $0xffff  }
0xe4: {  	vm0 =	vlt.u32 v3, $0xC300  }
0xe5: {  	v2 =	vnsel vm0, $0x0, v3  }
0xe6: {  	v3 =	vld [tilespmem:s0+$0x18850];
	_ =	sdelay $0x1  }
0xe7: {  	v0 =	vsel vm1, v0, v1  }
0xe8: {  	v1 =	vld [tilespmem:s0+$0x1C840];
	[tilespmem:s0+$0x1C830] =	vst v0  }
0xe9: {  	v0 =	vld.idx.msk [tilespmem:v2+s5+$0x0], $0xffff  }
0xea: {  	vm2 =	vlt.u32 v3, $0xC300  }
0xeb: {  	v2 =	vnsel vm2, $0x0, v3  }
0xec: {  	v3 =	vld [tilespmem:s0+$0x18860];
	_ =	sdelay $0x1  }
0xed: {  	v0 =	vsel vm0, v0, v1  }
0xee: {  	v1 =	vld [tilespmem:s0+$0x1C850];
	[tilespmem:s0+$0x1C840] =	vst v0  }
0xef: {  	v0 =	vld.idx.msk [tilespmem:v2+s5+$0x0], $0xffff  }
0xf0: {  	vm1 =	vlt.u32 v3, $0xC300  }
0xf1: {  	v2 =	vnsel vm1, $0x0, v3;
	_ =	sdelay $0x1  }
0xf2: {  	v3 =	vld [tilespmem:s0+$0x18870]  }
0xf3: {  	v0 =	vsel vm2, v0, v1  }
0xf4: {  	[tilespmem:s0+$0x1C850] =	vst v0  }
0xf5: {  	v0 =	vld.idx.msk [tilespmem:v2+s5+$0x0], $0xffff  }
0xf6: {  	v2 =	vld [tilespmem:s0+$0x1C860]  }
0xf7: {  	vm0 =	vlt.u32 v3, $0xC300  }
0xf8: {  	v1 =	vnsel vm0, $0x0, v3  }
0xf9: {  	s8 =	simm.s32 $0x80;
	s3 =	simm.s32 $0x400  }
.LBB2_5:
0xfa: {  	p0 =	sne.s32 s3, $0x7E00;
	v3 =	vld [tilespmem:s8+$0x18800]  }
0xfb: {  	v0 =	vsel vm1, v0, v2  }
0xfc: {  	[tilespmem:s0+$0x1C860] =	vst v0  }
0xfd: {  	v0 =	vld.idx.msk [tilespmem:v1+s5+$0x0], $0xffff  }
0xfe: {  	v1 =	vld [tilespmem:s0+$0x1C870]  }
0xff: {  	vm1 =	vlt.u32 v3, $0xC300  }
0x100: {  	v2 =	vnsel vm1, $0x0, v3;
	_ =	sdelay $0x1  }
0x101: {  	v3 =	vld [tilespmem:s8+$0x18810]  }
0x102: {  	v0 =	vsel vm0, v0, v1  }
0x103: {  	[tilespmem:s0+$0x1C870] =	vst v0;
	s0 =	smov.u32 s8  }
0x104: {  	v0 =	vld.idx.msk [tilespmem:v2+s5+$0x0], $0xffff  }
0x105: {  	v1 =	vld [tilespmem:s0+$0x1C800]  }
0x106: {  	vm0 =	vlt.u32 v3, $0xC300  }
0x107: {  	v2 =	vnsel vm0, $0x0, v3;
	_ =	sdelay $0x1  }
0x108: {  	v3 =	vld [tilespmem:s0+$0x18820]  }
0x109: {  	v0 =	vsel vm1, v0, v1  }
0x10a: {  	[tilespmem:s0+$0x1C800] =	vst v0  }
0x10b: {  	v0 =	vld.idx.msk [tilespmem:v2+s5+$0x0], $0xffff  }
0x10c: {  	v1 =	vld [tilespmem:s0+$0x1C810]  }
0x10d: {  	vm1 =	vlt.u32 v3, $0xC300  }
0x10e: {  	v2 =	vnsel vm1, $0x0, v3;
	_ =	sdelay $0x1  }
0x10f: {  	v3 =	vld [tilespmem:s0+$0x18830]  }
0x110: {  	v0 =	vsel vm0, v0, v1  }
0x111: {  	[tilespmem:s0+$0x1C810] =	vst v0  }
0x112: {  	v0 =	vld.idx.msk [tilespmem:v2+s5+$0x0], $0xffff  }
0x113: {  	v1 =	vld [tilespmem:s0+$0x1C820]  }
0x114: {  	vm0 =	vlt.u32 v3, $0xC300  }
0x115: {  	v2 =	vnsel vm0, $0x0, v3;
	_ =	sdelay $0x1  }
0x116: {  	v3 =	vld [tilespmem:s0+$0x18840]  }
0x117: {  	v0 =	vsel vm1, v0, v1  }
0x118: {  	[tilespmem:s0+$0x1C820] =	vst v0  }
0x119: {  	v0 =	vld.idx.msk [tilespmem:v2+s5+$0x0], $0xffff  }
0x11a: {  	v1 =	vld [tilespmem:s0+$0x1C830]  }
0x11b: {  	vm1 =	vlt.u32 v3, $0xC300  }
0x11c: {  	v2 =	vnsel vm1, $0x0, v3;
	_ =	sdelay $0x1  }
0x11d: {  	v3 =	vld [tilespmem:s0+$0x18850]  }
0x11e: {  	v0 =	vsel vm0, v0, v1  }
0x11f: {  	[tilespmem:s0+$0x1C830] =	vst v0  }
0x120: {  	v0 =	vld.idx.msk [tilespmem:v2+s5+$0x0], $0xffff  }
0x121: {  	v1 =	vld [tilespmem:s0+$0x1C840]  }
0x122: {  	vm0 =	vlt.u32 v3, $0xC300  }
0x123: {  	v2 =	vnsel vm0, $0x0, v3;
	_ =	sdelay $0x1  }
0x124: {  	v3 =	vld [tilespmem:s0+$0x18860]  }
0x125: {  	v0 =	vsel vm1, v0, v1  }
0x126: {  	[tilespmem:s0+$0x1C840] =	vst v0  }
0x127: {  	v0 =	vld.idx.msk [tilespmem:v2+s5+$0x0], $0xffff  }
0x128: {  	v1 =	vld [tilespmem:s0+$0x1C850]  }
0x129: {  	vm1 =	vlt.u32 v3, $0xC300  }
0x12a: {  	v2 =	vnsel vm1, $0x0, v3;
	_ =	sdelay $0x1  }
0x12b: {  	v3 =	vld [tilespmem:s0+$0x18870]  }
0x12c: {  	v0 =	vsel vm0, v0, v1  }
0x12d: {  	[tilespmem:s0+$0x1C850] =	vst v0  }
.Ltmp1:
0x12e: {  	v0 =	vld.idx.msk [tilespmem:v2+s5+$0x0], $0xffff;
	(pc) =	sbr.rel @p0 .LBB2_5-.Ltmp1, $4  }
0x12f: {  	v2 =	vld [tilespmem:s0+$0x1C860]  }
0x130: {  	vm0 =	vlt.u32 v3, $0xC300  }
0x131: {  	v1 =	vnsel vm0, $0x0, v3  }
0x132: {  	s8 =	sshra.s32 s3, $0x2;
	s3 =	sadd.s32 $0x200, s3  }
0x133: {  	_ =	sdelay $0x1  }
0x134: {  	v3 =	vld [tilespmem:s8+$0x18800];
	v0 =	vsel vm1, v0, v2  }
0x135: {  	[tilespmem:s0+$0x1C860] =	vst v0  }
0x136: {  	v0 =	vld.idx.msk [tilespmem:v1+s5+$0x0], $0xffff  }
0x137: {  	v1 =	vld [tilespmem:s0+$0x1C870];
	_ =	sdelay $0x1  }
0x138: {  	vm1 =	vlt.u32 v3, $0xC300  }
0x139: {  	v2 =	vnsel vm1, $0x0, v3  }
0x13a: {  	v3 =	vld [tilespmem:s8+$0x18810]  }
0x13b: {  	v0 =	vsel vm0, v0, v1  }
0x13c: {  	[tilespmem:s0+$0x1C870] =	vst v0  }
0x13d: {  	v1 =	vld [tilespmem:s8+$0x1C800]  }
0x13e: {  	v0 =	vld.idx.msk [tilespmem:v2+s5+$0x0], $0xffff  }
0x13f: {  	vm0 =	vlt.u32 v3, $0xC300  }
0x140: {  	v2 =	vnsel vm0, $0x0, v3  }
0x141: {  	v3 =	vld [tilespmem:s8+$0x18820];
	_ =	sdelay $0x1  }
0x142: {  	v0 =	vsel vm1, v0, v1  }
0x143: {  	v1 =	vld [tilespmem:s8+$0x1C810];
	[tilespmem:s8+$0x1C800] =	vst v0  }
0x144: {  	v0 =	vld.idx.msk [tilespmem:v2+s5+$0x0], $0xffff  }
0x145: {  	vm1 =	vlt.u32 v3, $0xC300  }
0x146: {  	v2 =	vnsel vm1, $0x0, v3  }
0x147: {  	v3 =	vld [tilespmem:s8+$0x18830];
	_ =	sdelay $0x1  }
0x148: {  	v0 =	vsel vm0, v0, v1  }
0x149: {  	v1 =	vld [tilespmem:s8+$0x1C820];
	[tilespmem:s8+$0x1C810] =	vst v0  }
0x14a: {  	v0 =	vld.idx.msk [tilespmem:v2+s5+$0x0], $0xffff  }
0x14b: {  	vm0 =	vlt.u32 v3, $0xC300  }
0x14c: {  	v2 =	vnsel vm0, $0x0, v3  }
0x14d: {  	v3 =	vld [tilespmem:s8+$0x18840];
	_ =	sdelay $0x1  }
0x14e: {  	v0 =	vsel vm1, v0, v1  }
0x14f: {  	v1 =	vld [tilespmem:s8+$0x1C830];
	[tilespmem:s8+$0x1C820] =	vst v0  }
0x150: {  	v0 =	vld.idx.msk [tilespmem:v2+s5+$0x0], $0xffff  }
0x151: {  	vm1 =	vlt.u32 v3, $0xC300  }
0x152: {  	v2 =	vnsel vm1, $0x0, v3  }
0x153: {  	v3 =	vld [tilespmem:s8+$0x18850];
	_ =	sdelay $0x1  }
0x154: {  	v0 =	vsel vm0, v0, v1  }
0x155: {  	v1 =	vld [tilespmem:s8+$0x1C840];
	[tilespmem:s8+$0x1C830] =	vst v0  }
0x156: {  	v0 =	vld.idx.msk [tilespmem:v2+s5+$0x0], $0xffff  }
0x157: {  	vm0 =	vlt.u32 v3, $0xC300  }
0x158: {  	v2 =	vnsel vm0, $0x0, v3  }
0x159: {  	v3 =	vld [tilespmem:s8+$0x18860];
	_ =	sdelay $0x1  }
0x15a: {  	v0 =	vsel vm1, v0, v1  }
0x15b: {  	v1 =	vld [tilespmem:s8+$0x1C850];
	[tilespmem:s8+$0x1C840] =	vst v0  }
0x15c: {  	v0 =	vld.idx.msk [tilespmem:v2+s5+$0x0], $0xffff  }
0x15d: {  	vm1 =	vlt.u32 v3, $0xC300  }
0x15e: {  	v2 =	vnsel vm1, $0x0, v3  }
0x15f: {  	v3 =	vld [tilespmem:s8+$0x18870];
	_ =	sdelay $0x1  }
0x160: {  	v0 =	vsel vm0, v0, v1  }
0x161: {  	v1 =	vld [tilespmem:s8+$0x1C860];
	[tilespmem:s8+$0x1C850] =	vst v0  }
0x162: {  	v0 =	vld.idx.msk [tilespmem:v2+s5+$0x0], $0xffff  }
0x163: {  	vm0 =	vlt.u32 v3, $0xC300  }
0x164: {  	v2 =	vnsel vm0, $0x0, v3;
	_ =	sdelay $0x2  }
0x165: {  	v0 =	vsel vm1, v0, v1  }
0x166: {  	p0 =	seq.s32 s30, $0x19;
	v1 =	vld [tilespmem:s8+$0x1C870];
	[tilespmem:s8+$0x1C860] =	vst v0  }
0x167: {  	s0 =	sadd.s32 @!p0 $0x1, s28;
	v0 =	vld.idx.msk [tilespmem:v2+s5+$0x0], $0xffff  }
0x168: {  	s31 =	sshrl.u32 @!p0 s0, $0x3  }
0x169: {  	s0 =	sshll.u32 @!p0 s0, $0x7;
	s9 =	smul.u32 @!p0 $0xC3800, s31  }
0x16a: {  	s3 =	sand.u32 @!p0 $0x380, s0  }
0x16b: {  	s0 =	sor.u32 @!p0 s3, s9  }
0x16c: {  	s10 =	simm.s32 @!p0 $0x400;
	s9 =	sshrl.u32 @!p0 s0, $0x3;
	v0 =	vsel vm0, v0, v1  }
0x16d: {  	s17 =	simm.s32 @!p0 $0x0;
	s9 =	sadd.s32 @!p0 s2, s9;
	[tilespmem:s8+$0x1C870] =	vst v0;
	s8 =	simm.s32 @!p0 $0x80  }
0x16e: {  	[tilespmem:s17], [sflag:$0x1] =	stream.strided.gather @!p0 [hbm4b:s9+s8], $0xC300, s10, s8, $0x38;
	[tilespmem:$0x1E800] =	vst v63  }
0x16f: {  	_ =	swait.ge [sflag:s21], $0xC300  }
0x170: {  	[sflag:s21] =	ssyncset.done $0x0  }
0x171: {  	[sflag:s21] =	ssyncadd.s32 $0xFFFF3D00  }
0x172: {  	_ =	swait.ge [sflag:s21], $0x100  }
0x173: {  	[sflag:s21] =	ssyncset.done $0x0  }
0x174: {  	s8 =	simm.s32 $0x0;
	[sflag:s21] =	ssyncadd.s32 $0xFFFFFF00  }
0x175: {  	v0 =	vld [tilespmem:s8+$0x18800];
	_ =	sdelay $0x4  }
0x176: {  	v0 =	vadd.s32 $0xFFFF3D00, v0  }
0x177: {  	vm0 =	vlt.u32 v0, $0xC3A0  }
0x178: {  	v1 =	vld [tilespmem:s8+$0x18810];
	v0 =	vnsel vm0, $0x0, v0;
	_ =	sdelay $0x3  }
0x179: {  	v2 =	vld [tilespmem:s8+$0x1C800]  }
0x17a: {  	v1 =	vadd.s32 $0xFFFF3D00, v1;
	v0 =	vld.idx.msk [tilespmem:v0+s16+$0x0], $0xffff  }
0x17b: {  	vm1 =	vlt.u32 v1, $0xC3A0  }
0x17c: {  	v1 =	vnsel vm1, $0x0, v1  }
0x17d: {  	v3 =	vld [tilespmem:s8+$0x18820];
	_ =	sdelay $0x1  }
0x17e: {  	v0 =	vsel vm0, v0, v2  }
0x17f: {  	[tilespmem:s8+$0x1C800] =	vst v0  }
0x180: {  	v0 =	vld.idx.msk [tilespmem:v1+s16+$0x0], $0xffff  }
0x181: {  	v2 =	vadd.s32 $0xFFFF3D00, v3;
	v1 =	vld [tilespmem:s8+$0x1C810]  }
0x182: {  	vm0 =	vlt.u32 v2, $0xC3A0  }
0x183: {  	v3 =	vld [tilespmem:s8+$0x18830];
	v2 =	vnsel vm0, $0x0, v2;
	_ =	sdelay $0x2  }
0x184: {  	v0 =	vsel vm1, v0, v1  }
0x185: {  	v1 =	vld [tilespmem:s8+$0x1C820];
	[tilespmem:s8+$0x1C810] =	vst v0  }
0x186: {  	v0 =	vld.idx.msk [tilespmem:v2+s16+$0x0], $0xffff;
	v2 =	vadd.s32 $0xFFFF3D00, v3  }
0x187: {  	vm1 =	vlt.u32 v2, $0xC3A0  }
0x188: {  	v3 =	vld [tilespmem:s8+$0x18840];
	v2 =	vnsel vm1, $0x0, v2;
	_ =	sdelay $0x2  }
0x189: {  	v0 =	vsel vm0, v0, v1  }
0x18a: {  	v1 =	vld [tilespmem:s8+$0x1C830];
	[tilespmem:s8+$0x1C820] =	vst v0  }
0x18b: {  	v0 =	vld.idx.msk [tilespmem:v2+s16+$0x0], $0xffff;
	v2 =	vadd.s32 $0xFFFF3D00, v3  }
0x18c: {  	vm0 =	vlt.u32 v2, $0xC3A0  }
0x18d: {  	v3 =	vld [tilespmem:s8+$0x18850];
	v2 =	vnsel vm0, $0x0, v2;
	_ =	sdelay $0x2  }
0x18e: {  	v0 =	vsel vm1, v0, v1  }
0x18f: {  	v1 =	vld [tilespmem:s8+$0x1C840];
	[tilespmem:s8+$0x1C830] =	vst v0  }
0x190: {  	v0 =	vld.idx.msk [tilespmem:v2+s16+$0x0], $0xffff;
	v2 =	vadd.s32 $0xFFFF3D00, v3  }
0x191: {  	vm1 =	vlt.u32 v2, $0xC3A0  }
0x192: {  	v3 =	vld [tilespmem:s8+$0x18860];
	v2 =	vnsel vm1, $0x0, v2;
	_ =	sdelay $0x2  }
0x193: {  	v0 =	vsel vm0, v0, v1  }
0x194: {  	v1 =	vld [tilespmem:s8+$0x1C850];
	[tilespmem:s8+$0x1C840] =	vst v0  }
0x195: {  	v0 =	vld.idx.msk [tilespmem:v2+s16+$0x0], $0xffff;
	v2 =	vadd.s32 $0xFFFF3D00, v3  }
0x196: {  	vm0 =	vlt.u32 v2, $0xC3A0  }
0x197: {  	v3 =	vld [tilespmem:s8+$0x18870];
	v2 =	vnsel vm0, $0x0, v2;
	_ =	sdelay $0x2  }
0x198: {  	v0 =	vsel vm1, v0, v1  }
0x199: {  	v1 =	vld [tilespmem:s8+$0x1C860];
	[tilespmem:s8+$0x1C850] =	vst v0  }
0x19a: {  	v3 =	vadd.s32 $0xFFFF3D00, v3;
	v0 =	vld.idx.msk [tilespmem:v2+s16+$0x0], $0xffff  }
0x19b: {  	s30 =	sadd.s32 $0x1, s30;
	s17 =	sshll.u32 s28, $0x4;
	vm1 =	vlt.u32 v3, $0xC3A0  }
0x19c: {  	s10 =	simm.s32 $0x80;
	s9 =	simm.s32 $0x400;
	s17 =	sand.u32 $0x70, s17;
	v2 =	vnsel vm1, $0x0, v3  }
.LBB2_7:
0x19d: {  	p1 =	sne.s32 s9, $0x7E00;
	v3 =	vld [tilespmem:s10+$0x18800];
	_ =	sdelay $0x1  }
0x19e: {  	v0 =	vsel vm0, v0, v1  }
0x19f: {  	[tilespmem:s8+$0x1C860] =	vst v0  }
0x1a0: {  	v0 =	vld.idx.msk [tilespmem:v2+s16+$0x0], $0xffff  }
0x1a1: {  	v1 =	vadd.s32 $0xFFFF3D00, v3;
	v2 =	vld [tilespmem:s8+$0x1C870]  }
0x1a2: {  	vm0 =	vlt.u32 v1, $0xC3A0  }
0x1a3: {  	v1 =	vnsel vm0, $0x0, v1  }
0x1a4: {  	v3 =	vld [tilespmem:s10+$0x18810];
	_ =	sdelay $0x1  }
0x1a5: {  	v0 =	vsel vm1, v0, v2  }
0x1a6: {  	[tilespmem:s8+$0x1C870] =	vst v0;
	s8 =	smov.u32 s10  }
0x1a7: {  	v0 =	vld.idx.msk [tilespmem:v1+s16+$0x0], $0xffff  }
0x1a8: {  	v1 =	vld [tilespmem:s8+$0x1C800];
	v2 =	vadd.s32 $0xFFFF3D00, v3  }
0x1a9: {  	vm1 =	vlt.u32 v2, $0xC3A0  }
0x1aa: {  	v2 =	vnsel vm1, $0x0, v2  }
0x1ab: {  	v3 =	vld [tilespmem:s8+$0x18820];
	_ =	sdelay $0x1  }
0x1ac: {  	v0 =	vsel vm0, v0, v1  }
0x1ad: {  	[tilespmem:s8+$0x1C800] =	vst v0  }
0x1ae: {  	v0 =	vld.idx.msk [tilespmem:v2+s16+$0x0], $0xffff  }
0x1af: {  	v1 =	vld [tilespmem:s8+$0x1C810];
	v2 =	vadd.s32 $0xFFFF3D00, v3  }
0x1b0: {  	vm0 =	vlt.u32 v2, $0xC3A0  }
0x1b1: {  	v2 =	vnsel vm0, $0x0, v2  }
0x1b2: {  	v3 =	vld [tilespmem:s8+$0x18830];
	_ =	sdelay $0x1  }
0x1b3: {  	v0 =	vsel vm1, v0, v1  }
0x1b4: {  	[tilespmem:s8+$0x1C810] =	vst v0  }
0x1b5: {  	v0 =	vld.idx.msk [tilespmem:v2+s16+$0x0], $0xffff  }
0x1b6: {  	v1 =	vld [tilespmem:s8+$0x1C820];
	v2 =	vadd.s32 $0xFFFF3D00, v3  }
0x1b7: {  	vm1 =	vlt.u32 v2, $0xC3A0  }
0x1b8: {  	v2 =	vnsel vm1, $0x0, v2  }
0x1b9: {  	v3 =	vld [tilespmem:s8+$0x18840];
	_ =	sdelay $0x1  }
0x1ba: {  	v0 =	vsel vm0, v0, v1  }
0x1bb: {  	[tilespmem:s8+$0x1C820] =	vst v0  }
0x1bc: {  	v0 =	vld.idx.msk [tilespmem:v2+s16+$0x0], $0xffff  }
0x1bd: {  	v1 =	vld [tilespmem:s8+$0x1C830];
	v2 =	vadd.s32 $0xFFFF3D00, v3  }
0x1be: {  	vm0 =	vlt.u32 v2, $0xC3A0  }
0x1bf: {  	v2 =	vnsel vm0, $0x0, v2  }
0x1c0: {  	v3 =	vld [tilespmem:s8+$0x18850];
	_ =	sdelay $0x1  }
0x1c1: {  	v0 =	vsel vm1, v0, v1  }
0x1c2: {  	[tilespmem:s8+$0x1C830] =	vst v0  }
0x1c3: {  	v0 =	vld.idx.msk [tilespmem:v2+s16+$0x0], $0xffff  }
0x1c4: {  	v1 =	vld [tilespmem:s8+$0x1C840];
	v2 =	vadd.s32 $0xFFFF3D00, v3  }
0x1c5: {  	vm1 =	vlt.u32 v2, $0xC3A0  }
0x1c6: {  	v2 =	vnsel vm1, $0x0, v2  }
0x1c7: {  	v3 =	vld [tilespmem:s8+$0x18860];
	_ =	sdelay $0x1  }
0x1c8: {  	v0 =	vsel vm0, v0, v1  }
0x1c9: {  	[tilespmem:s8+$0x1C840] =	vst v0  }
0x1ca: {  	v0 =	vld.idx.msk [tilespmem:v2+s16+$0x0], $0xffff  }
0x1cb: {  	v1 =	vld [tilespmem:s8+$0x1C850];
	v2 =	vadd.s32 $0xFFFF3D00, v3  }
0x1cc: {  	vm0 =	vlt.u32 v2, $0xC3A0  }
0x1cd: {  	v2 =	vnsel vm0, $0x0, v2  }
0x1ce: {  	v3 =	vld [tilespmem:s8+$0x18870];
	_ =	sdelay $0x1  }
0x1cf: {  	v0 =	vsel vm1, v0, v1  }
.Ltmp2:
0x1d0: {  	[tilespmem:s8+$0x1C850] =	vst v0;
	(pc) =	sbr.rel @p1 .LBB2_7-.Ltmp2, $4  }
0x1d1: {  	v0 =	vld.idx.msk [tilespmem:v2+s16+$0x0], $0xffff  }
0x1d2: {  	v1 =	vld [tilespmem:s8+$0x1C860];
	v2 =	vadd.s32 $0xFFFF3D00, v3  }
0x1d3: {  	vm1 =	vlt.u32 v2, $0xC3A0  }
0x1d4: {  	s10 =	sshra.s32 s9, $0x2;
	s9 =	sadd.s32 $0x200, s9;
	v2 =	vnsel vm1, $0x0, v2  }
0x1d5: {  	v3 =	vld [tilespmem:s10+$0x18800];
	_ =	sdelay $0x1  }
0x1d6: {  	v0 =	vsel vm0, v0, v1  }
0x1d7: {  	[tilespmem:s8+$0x1C860] =	vst v0  }
0x1d8: {  	v0 =	vld.idx.msk [tilespmem:v2+s16+$0x0], $0xffff  }
0x1d9: {  	v2 =	vld [tilespmem:s8+$0x1C870];
	v1 =	vadd.s32 $0xFFFF3D00, v3  }
0x1da: {  	vm0 =	vlt.u32 v1, $0xC3A0  }
0x1db: {  	v1 =	vnsel vm0, $0x0, v1  }
0x1dc: {  	v3 =	vld [tilespmem:s10+$0x18810];
	_ =	sdelay $0x1  }
0x1dd: {  	v0 =	vsel vm1, v0, v2  }
0x1de: {  	[tilespmem:s8+$0x1C870] =	vst v0  }
0x1df: {  	v0 =	vld.idx.msk [tilespmem:v1+s16+$0x0], $0xffff  }
0x1e0: {  	v2 =	vadd.s32 $0xFFFF3D00, v3;
	v1 =	vld [tilespmem:s10+$0x1C800]  }
0x1e1: {  	vm1 =	vlt.u32 v2, $0xC3A0  }
0x1e2: {  	v3 =	vld [tilespmem:s10+$0x18820];
	v2 =	vnsel vm1, $0x0, v2;
	_ =	sdelay $0x2  }
0x1e3: {  	v0 =	vsel vm0, v0, v1  }
0x1e4: {  	v1 =	vld [tilespmem:s10+$0x1C810];
	[tilespmem:s10+$0x1C800] =	vst v0  }
0x1e5: {  	v0 =	vld.idx.msk [tilespmem:v2+s16+$0x0], $0xffff;
	v2 =	vadd.s32 $0xFFFF3D00, v3  }
0x1e6: {  	vm0 =	vlt.u32 v2, $0xC3A0  }
0x1e7: {  	v3 =	vld [tilespmem:s10+$0x18830];
	v2 =	vnsel vm0, $0x0, v2;
	_ =	sdelay $0x2  }
0x1e8: {  	v0 =	vsel vm1, v0, v1  }
0x1e9: {  	v1 =	vld [tilespmem:s10+$0x1C820];
	[tilespmem:s10+$0x1C810] =	vst v0  }
0x1ea: {  	v0 =	vld.idx.msk [tilespmem:v2+s16+$0x0], $0xffff;
	v2 =	vadd.s32 $0xFFFF3D00, v3  }
0x1eb: {  	vm1 =	vlt.u32 v2, $0xC3A0  }
0x1ec: {  	v3 =	vld [tilespmem:s10+$0x18840];
	v2 =	vnsel vm1, $0x0, v2;
	_ =	sdelay $0x2  }
0x1ed: {  	v0 =	vsel vm0, v0, v1  }
0x1ee: {  	v1 =	vld [tilespmem:s10+$0x1C830];
	[tilespmem:s10+$0x1C820] =	vst v0  }
0x1ef: {  	v0 =	vld.idx.msk [tilespmem:v2+s16+$0x0], $0xffff;
	v2 =	vadd.s32 $0xFFFF3D00, v3  }
0x1f0: {  	vm0 =	vlt.u32 v2, $0xC3A0  }
0x1f1: {  	v3 =	vld [tilespmem:s10+$0x18850];
	v2 =	vnsel vm0, $0x0, v2;
	_ =	sdelay $0x2  }
0x1f2: {  	v0 =	vsel vm1, v0, v1  }
0x1f3: {  	v1 =	vld [tilespmem:s10+$0x1C840];
	[tilespmem:s10+$0x1C830] =	vst v0  }
0x1f4: {  	v0 =	vld.idx.msk [tilespmem:v2+s16+$0x0], $0xffff;
	v2 =	vadd.s32 $0xFFFF3D00, v3  }
0x1f5: {  	vm1 =	vlt.u32 v2, $0xC3A0  }
0x1f6: {  	v3 =	vld [tilespmem:s10+$0x18860];
	v2 =	vnsel vm1, $0x0, v2;
	_ =	sdelay $0x2  }
0x1f7: {  	v0 =	vsel vm0, v0, v1  }
0x1f8: {  	v1 =	vld [tilespmem:s10+$0x1C850];
	[tilespmem:s10+$0x1C840] =	vst v0  }
0x1f9: {  	v0 =	vld.idx.msk [tilespmem:v2+s16+$0x0], $0xffff;
	v2 =	vadd.s32 $0xFFFF3D00, v3  }
0x1fa: {  	vm0 =	vlt.u32 v2, $0xC3A0  }
0x1fb: {  	v3 =	vld [tilespmem:s10+$0x18870];
	v2 =	vnsel vm0, $0x0, v2;
	_ =	sdelay $0x2  }
0x1fc: {  	v0 =	vsel vm1, v0, v1  }
0x1fd: {  	v1 =	vld [tilespmem:s10+$0x1C860];
	[tilespmem:s10+$0x1C850] =	vst v0  }
0x1fe: {  	v0 =	vld.idx.msk [tilespmem:v2+s16+$0x0], $0xffff;
	v2 =	vadd.s32 $0xFFFF3D00, v3  }
0x1ff: {  	vm1 =	vlt.u32 v2, $0xC3A0  }
0x200: {  	v2 =	vnsel vm1, $0x0, v2;
	_ =	sdelay $0x2  }
0x201: {  	v0 =	vsel vm0, v0, v1  }
0x202: {  	v1 =	vld [tilespmem:s10+$0x1C870];
	[tilespmem:s10+$0x1C860] =	vst v0  }
0x203: {  	v0 =	vld.idx.msk [tilespmem:v2+s16+$0x0], $0xffff;
	_ =	sdelay $0x4  }
0x204: {  	v0 =	vsel vm1, v0, v1  }
0x205: {  	[tilespmem:s10+$0x1C870] =	vst v0  }
0x206: {  	[tilespmem:s19], [sflag:$0x5] =	stream.strided.gather [hbm4b:s29+s14], $0x2000, s15, s14, $0x38;
	[tilespmem:$0x1E800] =	vst v63  }
0x207: {  	_ =	swait.ge [sflag:s20], $0x2000  }
0x208: {  	[sflag:s20] =	ssyncset.done $0x0  }
0x209: {  	s8 =	simm.s32 $0x0;
	[sflag:s20] =	ssyncadd.s32 $0xFFFFE000  }
0x20a: {  	v0 =	vld [tilespmem:s8+$0x18800];
	_ =	sdelay $0x4  }
0x20b: {  	v0 =	vadd.s32 $0xFFFF3D00, v0  }
0x20c: {  	vm0 =	vlt.u32 v0, $0xC3A0  }
0x20d: {  	v1 =	vld [tilespmem:s8+$0x18810];
	v0 =	vnsel vm0, $0x0, v0;
	_ =	sdelay $0x3  }
0x20e: {  	v2 =	vld [tilespmem:s8+$0x1A800]  }
0x20f: {  	v1 =	vadd.s32 $0xFFFF3D00, v1;
	v0 =	vld.idx.msk [tilespmem:v0+s16+$0x0], $0xffff  }
0x210: {  	vm1 =	vlt.u32 v1, $0xC3A0  }
0x211: {  	v1 =	vnsel vm1, $0x0, v1  }
0x212: {  	v3 =	vld [tilespmem:s8+$0x18820];
	_ =	sdelay $0x1  }
0x213: {  	v0 =	vsel vm0, v0, v2  }
0x214: {  	[tilespmem:s8+$0x1A800] =	vst v0  }
0x215: {  	v0 =	vld.idx.msk [tilespmem:v1+s16+$0x0], $0xffff  }
0x216: {  	v2 =	vadd.s32 $0xFFFF3D00, v3;
	v1 =	vld [tilespmem:s8+$0x1A810]  }
0x217: {  	vm0 =	vlt.u32 v2, $0xC3A0  }
0x218: {  	v3 =	vld [tilespmem:s8+$0x18830];
	v2 =	vnsel vm0, $0x0, v2;
	_ =	sdelay $0x2  }
0x219: {  	v0 =	vsel vm1, v0, v1  }
0x21a: {  	v1 =	vld [tilespmem:s8+$0x1A820];
	[tilespmem:s8+$0x1A810] =	vst v0  }
0x21b: {  	v0 =	vld.idx.msk [tilespmem:v2+s16+$0x0], $0xffff;
	v2 =	vadd.s32 $0xFFFF3D00, v3  }
0x21c: {  	vm1 =	vlt.u32 v2, $0xC3A0  }
0x21d: {  	v3 =	vld [tilespmem:s8+$0x18840];
	v2 =	vnsel vm1, $0x0, v2;
	_ =	sdelay $0x2  }
0x21e: {  	v0 =	vsel vm0, v0, v1  }
0x21f: {  	v1 =	vld [tilespmem:s8+$0x1A830];
	[tilespmem:s8+$0x1A820] =	vst v0  }
0x220: {  	v0 =	vld.idx.msk [tilespmem:v2+s16+$0x0], $0xffff;
	v2 =	vadd.s32 $0xFFFF3D00, v3  }
0x221: {  	vm0 =	vlt.u32 v2, $0xC3A0  }
0x222: {  	v3 =	vld [tilespmem:s8+$0x18850];
	v2 =	vnsel vm0, $0x0, v2;
	_ =	sdelay $0x2  }
0x223: {  	v0 =	vsel vm1, v0, v1  }
0x224: {  	v1 =	vld [tilespmem:s8+$0x1A840];
	[tilespmem:s8+$0x1A830] =	vst v0  }
0x225: {  	v0 =	vld.idx.msk [tilespmem:v2+s16+$0x0], $0xffff;
	v2 =	vadd.s32 $0xFFFF3D00, v3  }
0x226: {  	vm2 =	vlt.u32 v2, $0xC3A0  }
0x227: {  	v3 =	vld [tilespmem:s8+$0x18860];
	v2 =	vnsel vm2, $0x0, v2;
	_ =	sdelay $0x2  }
0x228: {  	v0 =	vsel vm0, v0, v1  }
0x229: {  	v1 =	vld [tilespmem:s8+$0x1A850];
	[tilespmem:s8+$0x1A840] =	vst v0  }
0x22a: {  	v0 =	vld.idx.msk [tilespmem:v2+s16+$0x0], $0xffff;
	v2 =	vadd.s32 $0xFFFF3D00, v3  }
0x22b: {  	vm1 =	vlt.u32 v2, $0xC3A0  }
0x22c: {  	v3 =	vld [tilespmem:s8+$0x18870];
	v2 =	vnsel vm1, $0x0, v2;
	_ =	sdelay $0x2  }
0x22d: {  	v0 =	vsel vm2, v0, v1  }
0x22e: {  	v1 =	vld [tilespmem:s8+$0x1A860];
	[tilespmem:s8+$0x1A850] =	vst v0  }
0x22f: {  	v3 =	vadd.s32 $0xFFFF3D00, v3;
	v0 =	vld.idx.msk [tilespmem:v2+s16+$0x0], $0xffff  }
0x230: {  	vm0 =	vlt.u32 v3, $0xC3A0  }
0x231: {  	s9 =	simm.s32 $0x400;
	s29 =	simm.s32 $0x80;
	v2 =	vnsel vm0, $0x0, v3  }
.LBB2_9:
0x232: {  	p1 =	sne.s32 s9, $0x7E00;
	v3 =	vld [tilespmem:s29+$0x18800];
	_ =	sdelay $0x1  }
0x233: {  	v0 =	vsel vm1, v0, v1  }
0x234: {  	[tilespmem:s8+$0x1A860] =	vst v0  }
0x235: {  	v0 =	vld.idx.msk [tilespmem:v2+s16+$0x0], $0xffff  }
0x236: {  	v1 =	vadd.s32 $0xFFFF3D00, v3;
	v2 =	vld [tilespmem:s8+$0x1A870]  }
0x237: {  	vm1 =	vlt.u32 v1, $0xC3A0  }
0x238: {  	v1 =	vnsel vm1, $0x0, v1  }
0x239: {  	v3 =	vld [tilespmem:s29+$0x18810];
	_ =	sdelay $0x1  }
0x23a: {  	v0 =	vsel vm0, v0, v2  }
0x23b: {  	[tilespmem:s8+$0x1A870] =	vst v0;
	s8 =	smov.u32 s29  }
0x23c: {  	v0 =	vld.idx.msk [tilespmem:v1+s16+$0x0], $0xffff  }
0x23d: {  	v1 =	vld [tilespmem:s8+$0x1A800];
	v2 =	vadd.s32 $0xFFFF3D00, v3  }
0x23e: {  	vm0 =	vlt.u32 v2, $0xC3A0  }
0x23f: {  	v2 =	vnsel vm0, $0x0, v2  }
0x240: {  	v3 =	vld [tilespmem:s8+$0x18820];
	_ =	sdelay $0x1  }
0x241: {  	v0 =	vsel vm1, v0, v1  }
0x242: {  	[tilespmem:s8+$0x1A800] =	vst v0  }
0x243: {  	v0 =	vld.idx.msk [tilespmem:v2+s16+$0x0], $0xffff  }
0x244: {  	v1 =	vld [tilespmem:s8+$0x1A810];
	v2 =	vadd.s32 $0xFFFF3D00, v3  }
0x245: {  	vm1 =	vlt.u32 v2, $0xC3A0  }
0x246: {  	v2 =	vnsel vm1, $0x0, v2  }
0x247: {  	v3 =	vld [tilespmem:s8+$0x18830];
	_ =	sdelay $0x1  }
0x248: {  	v0 =	vsel vm0, v0, v1  }
0x249: {  	[tilespmem:s8+$0x1A810] =	vst v0  }
0x24a: {  	v0 =	vld.idx.msk [tilespmem:v2+s16+$0x0], $0xffff  }
0x24b: {  	v1 =	vld [tilespmem:s8+$0x1A820];
	v2 =	vadd.s32 $0xFFFF3D00, v3  }
0x24c: {  	vm0 =	vlt.u32 v2, $0xC3A0  }
0x24d: {  	v2 =	vnsel vm0, $0x0, v2  }
0x24e: {  	v3 =	vld [tilespmem:s8+$0x18840];
	_ =	sdelay $0x1  }
0x24f: {  	v0 =	vsel vm1, v0, v1  }
0x250: {  	[tilespmem:s8+$0x1A820] =	vst v0  }
0x251: {  	v0 =	vld.idx.msk [tilespmem:v2+s16+$0x0], $0xffff  }
0x252: {  	v1 =	vld [tilespmem:s8+$0x1A830];
	v2 =	vadd.s32 $0xFFFF3D00, v3  }
0x253: {  	vm1 =	vlt.u32 v2, $0xC3A0  }
0x254: {  	v2 =	vnsel vm1, $0x0, v2  }
0x255: {  	v3 =	vld [tilespmem:s8+$0x18850];
	_ =	sdelay $0x1  }
0x256: {  	v0 =	vsel vm0, v0, v1  }
0x257: {  	[tilespmem:s8+$0x1A830] =	vst v0  }
0x258: {  	v0 =	vld.idx.msk [tilespmem:v2+s16+$0x0], $0xffff  }
0x259: {  	v1 =	vld [tilespmem:s8+$0x1A840];
	v2 =	vadd.s32 $0xFFFF3D00, v3  }
0x25a: {  	vm0 =	vlt.u32 v2, $0xC3A0  }
0x25b: {  	v2 =	vnsel vm0, $0x0, v2  }
0x25c: {  	v3 =	vld [tilespmem:s8+$0x18860];
	_ =	sdelay $0x1  }
0x25d: {  	v0 =	vsel vm1, v0, v1  }
0x25e: {  	[tilespmem:s8+$0x1A840] =	vst v0  }
0x25f: {  	v0 =	vld.idx.msk [tilespmem:v2+s16+$0x0], $0xffff  }
0x260: {  	v1 =	vld [tilespmem:s8+$0x1A850];
	v2 =	vadd.s32 $0xFFFF3D00, v3  }
0x261: {  	vm1 =	vlt.u32 v2, $0xC3A0  }
0x262: {  	v2 =	vnsel vm1, $0x0, v2  }
0x263: {  	v3 =	vld [tilespmem:s8+$0x18870];
	_ =	sdelay $0x1  }
0x264: {  	v0 =	vsel vm0, v0, v1  }
.Ltmp3:
0x265: {  	[tilespmem:s8+$0x1A850] =	vst v0;
	(pc) =	sbr.rel @p1 .LBB2_9-.Ltmp3, $4  }
0x266: {  	v0 =	vld.idx.msk [tilespmem:v2+s16+$0x0], $0xffff  }
0x267: {  	v1 =	vld [tilespmem:s8+$0x1A860];
	v2 =	vadd.s32 $0xFFFF3D00, v3  }
0x268: {  	vm0 =	vlt.u32 v2, $0xC3A0  }
0x269: {  	s29 =	sshra.s32 s9, $0x2;
	s9 =	sadd.s32 $0x200, s9;
	v2 =	vnsel vm0, $0x0, v2  }
0x26a: {  	v3 =	vld [tilespmem:s29+$0x18800];
	_ =	sdelay $0x1  }
0x26b: {  	v0 =	vsel vm1, v0, v1  }
0x26c: {  	v41 =	vld [tilespmem:s8+$0x1A870];
	[tilespmem:s8+$0x1A860] =	vst v0  }
0x26d: {  	v0 =	vld.idx.msk [tilespmem:v2+s16+$0x0], $0xffff  }
0x26e: {  	v40 =	vadd.s32 $0xFFFF3D00, v3  }
0x26f: {  	vm8 =	vlt.u32 v40, $0xC3A0  }
0x270: {  	v42 =	vld [tilespmem:s29+$0x18810];
	v1 =	vnsel vm8, $0x0, v40;
	_ =	sdelay $0x1  }
0x271: {  	v0 =	vsel vm0, v0, v41  }
0x272: {  	[tilespmem:s8+$0x1A870] =	vst v0  }
0x273: {  	v43 =	vld [tilespmem:s29+$0x1A800]  }
0x274: {  	v44 =	vadd.s32 $0xFFFF3D00, v42;
	v0 =	vld.idx.msk [tilespmem:v1+s16+$0x0], $0xffff  }
0x275: {  	vm9 =	vlt.u32 v44, $0xC3A0  }
0x276: {  	v2 =	vnsel vm9, $0x0, v44;
	v45 =	vld [tilespmem:s29+$0x18820];
	_ =	sdelay $0x2  }
0x277: {  	v0 =	vsel vm8, v0, v43  }
0x278: {  	v46 =	vld [tilespmem:s29+$0x1A810];
	[tilespmem:s29+$0x1A800] =	vst v0  }
0x279: {  	v47 =	vadd.s32 $0xFFFF3D00, v45;
	v0 =	vld.idx.msk [tilespmem:v2+s16+$0x0], $0xffff  }
0x27a: {  	vm10 =	vlt.u32 v47, $0xC3A0  }
0x27b: {  	v48 =	vld [tilespmem:s29+$0x18830];
	v2 =	vnsel vm10, $0x0, v47;
	_ =	sdelay $0x2  }
0x27c: {  	v0 =	vsel vm9, v0, v46  }
0x27d: {  	v49 =	vld [tilespmem:s29+$0x1A820];
	[tilespmem:s29+$0x1A810] =	vst v0  }
0x27e: {  	v50 =	vadd.s32 $0xFFFF3D00, v48;
	v0 =	vld.idx.msk [tilespmem:v2+s16+$0x0], $0xffff  }
0x27f: {  	vm11 =	vlt.u32 v50, $0xC3A0  }
0x280: {  	v51 =	vld [tilespmem:s29+$0x18840];
	v2 =	vnsel vm11, $0x0, v50;
	_ =	sdelay $0x2  }
0x281: {  	v0 =	vsel vm10, v0, v49  }
0x282: {  	v52 =	vld [tilespmem:s29+$0x1A830];
	[tilespmem:s29+$0x1A820] =	vst v0  }
0x283: {  	v53 =	vadd.s32 $0xFFFF3D00, v51;
	v0 =	vld.idx.msk [tilespmem:v2+s16+$0x0], $0xffff  }
0x284: {  	vm12 =	vlt.u32 v53, $0xC3A0  }
0x285: {  	v54 =	vld [tilespmem:s29+$0x18850];
	v2 =	vnsel vm12, $0x0, v53;
	_ =	sdelay $0x2  }
0x286: {  	v0 =	vsel vm11, v0, v52  }
0x287: {  	v55 =	vld [tilespmem:s29+$0x1A840];
	[tilespmem:s29+$0x1A830] =	vst v0  }
0x288: {  	v56 =	vadd.s32 $0xFFFF3D00, v54;
	v0 =	vld.idx.msk [tilespmem:v2+s16+$0x0], $0xffff  }
0x289: {  	vm13 =	vlt.u32 v56, $0xC3A0  }
0x28a: {  	v57 =	vld [tilespmem:s29+$0x18860];
	v2 =	vnsel vm13, $0x0, v56;
	_ =	sdelay $0x2  }
0x28b: {  	v0 =	vsel vm12, v0, v55  }
0x28c: {  	v58 =	vld [tilespmem:s29+$0x1A850];
	[tilespmem:s29+$0x1A840] =	vst v0  }
0x28d: {  	v59 =	vadd.s32 $0xFFFF3D00, v57;
	v0 =	vld.idx.msk [tilespmem:v2+s16+$0x0], $0xffff  }
0x28e: {  	vm14 =	vlt.u32 v59, $0xC3A0  }
0x28f: {  	v60 =	vld [tilespmem:s29+$0x18870];
	v2 =	vnsel vm14, $0x0, v59;
	_ =	sdelay $0x2  }
0x290: {  	v0 =	vsel vm13, v0, v58  }
0x291: {  	v61 =	vld [tilespmem:s29+$0x1A860];
	[tilespmem:s29+$0x1A850] =	vst v0  }
0x292: {  	v62 =	vadd.s32 $0xFFFF3D00, v60;
	v0 =	vld.idx.msk [tilespmem:v2+s16+$0x0], $0xffff  }
0x293: {  	vm15 =	vlt.u32 v62, $0xC3A0  }
0x294: {  	v2 =	vnsel vm15, $0x0, v62;
	_ =	sdelay $0x2  }
0x295: {  	v0 =	vsel vm14, v0, v61  }
0x296: {  	v63 =	vld [tilespmem:s29+$0x1A870];
	[tilespmem:s29+$0x1A860] =	vst v0  }
0x297: {  	v0 =	vld.idx.msk [tilespmem:v2+s16+$0x0], $0xffff;
	_ =	sdelay $0x3  }
0x298: {  	s0 =	sadd.s32 @!p0 $0x61800, s0  }
0x299: {  	s9 =	simm.s32 @!p0 $0x400;
	s0 =	sshrl.u32 @!p0 s0, $0x3;
	v0 =	vsel vm15, v0, v63  }
0x29a: {  	s10 =	simm.s32 @!p0 $0xC400;
	s0 =	sadd.s32 @!p0 s2, s0;
	s8 =	simm.s32 @!p0 $0x80;
	[tilespmem:s29+$0x1A870] =	vst v0  }
0x29b: {  	[tilespmem:s10], [sflag:$0x2] =	stream.strided.gather @!p0 [hbm4b:s0+s8], $0xC300, s9, s8, $0x38;
	[tilespmem:$0x1E800] =	vst v63  }
0x29c: {  	s0 =	sshll.u32 @!p0 s31, $0xB  }
0x29d: {  	s0 =	sor.u32 @!p0 s3, s0  }
0x29e: {  	s0 =	sshrl.u32 @!p0 s0, $0x3  }
0x29f: {  	s29 =	sshll.u32 s28, $0xB;
	s3 =	simm.s32 @!p0 $0x18700;
	s0 =	sadd.s32 @!p0 s7, s0  }
0x2a0: {  	[tilespmem:s3], [sflag:$0x2] =	stream.strided.gather @!p0 [hbm4b:s0+s8], $0x100, s9, s8, $0x38;
	[tilespmem:$0x1E800] =	vst v63  }
0x2a1: {  	s0 =	sand.u32 $0xFFFC000, s29;
	p0 =	sne.s32 s30, $0x1A  }
.Ltmp4:
0x2a2: {  	s0 =	sor.u32 s17, s0;
	(pc) =	sbr.rel @p0 .LBB2_2-.Ltmp4, $4  }
0x2a3: {  	s31 =	sadd.s32 s4, s0  }
0x2a4: {  	[hbm4b:s31+s14] =	stream.strided.scatter [tilespmem:s22], [sflag:$0x3], $0x2000, s15, s14, $0x38;
	[tilespmem:$0x1E800] =	vst v63  }
0x2a5: {  	s0 =	sadd.s32 s0, s12  }
0x2a6: {  	[hbm4b:s0+s14] =	stream.strided.scatter [tilespmem:s23], [sflag:$0x4], $0x2000, s15, s14, $0x38;
	[tilespmem:$0x1E800] =	vst v63  }
0x2a7: {  	s26 =	sadd.s32 $0x1, s26  }
0x2a8: {  	_ =	swait.ge [sflag:s24], $0x2000;
	p0 =	sne.s32 s26, s13  }
.Ltmp5:
0x2a9: {  	[sflag:s24] =	ssyncset.done $0x0;
	(pc) =	sbr.rel @p0 .LBB2_1-.Ltmp5, $4  }
0x2aa: {  	[sflag:s24] =	ssyncadd.s32 $0xFFFFE000  }
0x2ab: {  	_ =	swait.ge [sflag:s25], $0x2000  }
0x2ac: {  	[sflag:s25] =	ssyncset.done $0x0  }
0x2ad: {  	[sflag:s25] =	ssyncadd.s32 $0xFFFFE000  }
0x2ae: {  	_ =	sfence.sel $0x180000  }
0x2af: {  	[bflag:$0x0] =	sbarrier.arrive $0xFFFF  }
0x2b0: {  	_ =	strace $0x90000047  }
0x2b1: {  	s0 =	stileid.u32;
	[bflag:$0x2] =	sbarrier.arrive $0xFFFF  }
0x2b2: {  	p0 =	sne.s32 s0, $0x0;
	s0 =	rddreg [dreg:$0x4]  }
0x2b3: {  	s0 =	sadd.s32 @!p0 $0x100000, s0  }
0x2b4: {  	[sflag:s0] =	ssyncadd.tile.s32 @!p0 $0x1;
	_ =	shalt  }
.Lfunc_end2:
_tile_overlayer_lowered:
.L_overlay_start_2:
0x2b5: {  	(tag) =	ssettag $0x2  }
0x2b6: {  	s0 =	rddreg [dreg:$0x0];
	s2 =	stileid.u32  }
0x2b7: {  	s1 =	rddreg [dreg:$0x1];
	p0 =	sne.s32 s2, $0x0  }
0x2b8: {  	s3 =	rddreg [dreg:$0x2];
	[bflag:$0x3] =	sbarrier.arrive $0xFFFF;
	s2 =	simm.s32 @!p0 $0x1C05  }
0x2b9: {  	[timem:s3], [sflag:s2] =	dma.local @!p0 [hbm:s0], s1  }
0x2ba: {  	s0 =	simm.s32 @!p0 $0x5  }
0x2bb: {  	_ =	swait.ge @!p0 [sflag:s0], s1  }
0x2bc: {  	s1 =	ssub.s32 @!p0 $0x0, s1;
	[sflag:s0] =	ssyncset.done @!p0 $0x0  }
0x2bd: {  	[sflag:s0] =	ssyncadd.s32 @!p0 s1  }
0x2be: {  	[bflag:$0x3] =	sbarrier.arrive $0xFFFF  }
0x2bf: {  	_ =	shalt  }

</sc_bundles>
